<compile_context>
chip_gen: v7x
topology: tpu7x:2x2x1
jax: 0.10.2.dev20260603
libtpu: 0.0.44.dev20260713+nightly
codegen_flags: <defaults>
</compile_context>

<pallas_src>
import functools

import jax
import jax.numpy as jnp
from jax import lax
from jax.experimental import pallas as pl
from jax.experimental.pallas import tpu as pltpu
from jax.experimental.pallas import tpu_sc as plsc

_NC, _NS = 2, 16
_LANES = 128

_PAIRS = [(a, b) for a in range(6) for b in range(a, 6)]


def _sc_gather_pair(pre_emb, r_embed, edge_src, edge_type):
    e = edge_src.shape[0]
    d = pre_emb.shape[1]
    nw = _NC * _NS
    bpw = e // nw
    rpi = bpw // _LANES
    src2d = edge_src.astype(jnp.int32).reshape(e // _LANES, _LANES)
    typ2d = edge_type.astype(jnp.int32).reshape(e // _LANES, _LANES)
    mesh = plsc.VectorSubcoreMesh(
        core_axis_name="c", subcore_axis_name="s",
        num_cores=_NC, num_subcores=_NS)

    @functools.partial(
        pl.kernel,
        out_type=[jax.ShapeDtypeStruct((e, d), jnp.float32),
                  jax.ShapeDtypeStruct((e, d), jnp.float32)],
        mesh=mesh,
        scratch_types=[
            pltpu.VMEM((rpi, _LANES), jnp.int32),
            pltpu.VMEM((rpi, _LANES), jnp.int32),
            pltpu.VMEM((bpw, d), jnp.float32),
            pltpu.VMEM((bpw, d), jnp.float32),
            pltpu.SemaphoreType.DMA,
            pltpu.SemaphoreType.DMA,
        ],
    )
    def gather_kernel(pre_hbm, rem_hbm, src_hbm, typ_hbm, out_src, out_rel,
                      idx_s, idx_t, rows_s, rows_t, sem_s, sem_t):
        wid = lax.axis_index("s") * _NC + lax.axis_index("c")
        base = wid * bpw
        ibase = wid * rpi
        pltpu.sync_copy(src_hbm.at[pl.ds(ibase, rpi)], idx_s)
        pltpu.sync_copy(typ_hbm.at[pl.ds(ibase, rpi)], idx_t)
        cs, ct = [], []
        for j in range(rpi):
            sl = pl.ds(j * _LANES, _LANES)
            cs.append(
                pltpu.async_copy(pre_hbm.at[idx_s.at[j]], rows_s.at[sl],
                                 sem_s))
            ct.append(
                pltpu.async_copy(rem_hbm.at[idx_t.at[j]], rows_t.at[sl],
                                 sem_t))
        for c in cs:
            c.wait()
        pltpu.sync_copy(rows_s, out_src.at[pl.ds(base, bpw)])
        for c in ct:
            c.wait()
        pltpu.sync_copy(rows_t, out_rel.at[pl.ds(base, bpw)])

    return gather_kernel(pre_emb, r_embed, src2d, typ2d)


def _tc_decode(src, rel, w2b, fwb, cwflat, be):
    e, d = src.shape
    ch = fwb.shape[0] // d
    nb = e // be
    nconv = float(e * d)
    npairs = len(_PAIRS)

    _Q0 = {("s", "s"): 2, ("s", "r"): 3, ("r", "s"): 3, ("r", "r"): 4}
    _Q1 = {("s", "s"): 5, ("s", "r"): 6, ("r", "s"): 7, ("r", "r"): 8}
    _Q2 = {("s", "s"): 9, ("s", "r"): 10, ("r", "s"): 11, ("r", "r"): 12}
    _SP = ["s", "s", "s", "r", "r", "r"]
    _DD = [-1, 0, 1, -1, 0, 1]

    def body(cw_s, src_ref, rel_ref, w2_ref, fw_ref, out_ref,
             mom, fstat, y_all, mivf, w2s):
        phase = pl.program_id(0)
        b = pl.program_id(1)

        @pl.when(phase == 0)
        def _p0():
            @pl.when(b == 0)
            def _zero():
                mom[...] = jnp.zeros((16, d), jnp.float32)

            s = src_ref[...]
            r = rel_ref[...]
            sb16 = s.astype(jnp.bfloat16)
            rb16 = r.astype(jnp.bfloat16)
            ones = jnp.ones((8, be), jnp.bfloat16)

            def add(row, width, v):
                red = jnp.dot(ones, v, preferred_element_type=jnp.float32)
                mom[row:row + 1, 0:width] = (
                    mom[row:row + 1, 0:width] + red[0:1, :])

            add(0, d, sb16)
            add(1, d, rb16)
            add(2, d, sb16 * sb16)
            add(3, d, sb16 * rb16)
            add(4, d, rb16 * rb16)
            add(5, d - 1, sb16[:, :-1] * sb16[:, 1:])
            add(6, d - 1, sb16[:, :-1] * rb16[:, 1:])
            add(7, d - 1, rb16[:, :-1] * sb16[:, 1:])
            add(8, d - 1, rb16[:, :-1] * rb16[:, 1:])
            add(9, d - 2, sb16[:, :-2] * sb16[:, 2:])
            add(10, d - 2, sb16[:, :-2] * rb16[:, 2:])
            add(11, d - 2, rb16[:, :-2] * sb16[:, 2:])
            add(12, d - 2, rb16[:, :-2] * rb16[:, 2:])

        @pl.when(phase == 1)
        def _p1():
            @pl.when(b == 0)
            def _stats():
                tot = [jnp.sum(mom[i:i + 1, :]) for i in range(13)]

                def lane(row, j):
                    return jnp.sum(mom[row:row + 1, j:j + 1])

                s1 = []
                for j in range(6):
                    frow = 0 if _SP[j] == "s" else 1
                    v = tot[frow]
                    if _DD[j] == -1:
                        v = v - lane(frow, d - 1)
                    elif _DD[j] == 1:
                        v = v - lane(frow, 0)
                    s1.append(v)
                s2 = []
                for (a, bb) in _PAIRS:
                    da, db = _DD[a], _DD[bb]
                    sa, sb = _SP[a], _SP[bb]
                    delta = db - da
                    if delta == 0:
                        row = _Q0[(sa, sb)]
                        v = tot[row]
                        if da == -1:
                            v = v - lane(row, d - 1)
                        elif da == 1:
                            v = v - lane(row, 0)
                    elif abs(delta) == 1:
                        key = (sa, sb) if delta == 1 else (sb, sa)
                        v = tot[_Q1[key]]
                    else:
                        key = (sa, sb) if delta == 2 else (sb, sa)
                        v = tot[_Q2[key]]
                    s2.append(v)
                lane_ch = lax.broadcasted_iota(
                    jnp.int32, (1, ch * d), 1) // d

                def sb(c, carry):
                    miv_acc, iv_acc = carry
                    m = 0.0
                    for j in range(6):
                        m = m + cw_s[c * 6 + j] * s1[j]
                    m = m / nconv
                    q = 0.0
                    for p, (a, bb) in enumerate(_PAIRS):
                        f = 1.0 if a == bb else 2.0
                        q = q + f * cw_s[c * 6 + a] * cw_s[c * 6 + bb] * s2[p]
                    v = q / nconv - m * m
                    inv = 1.0 / jnp.sqrt(v + 1e-5)
                    sel = lane_ch == c
                    return (jnp.where(sel, m * inv, miv_acc),
                            jnp.where(sel, inv, iv_acc))
                miv_v, iv_v = lax.fori_loop(
                    0, ch, sb, (jnp.zeros((1, ch * d), jnp.float32),
                                jnp.zeros((1, ch * d), jnp.float32)))
                mivf[...] = miv_v
                w2s[...] = w2_ref[...] * iv_v.astype(jnp.bfloat16)
                fstat[...] = jnp.zeros((8, d), jnp.float32)

            g = jnp.concatenate(
                [src_ref[...], rel_ref[...]], axis=1).astype(jnp.bfloat16)
            t = jnp.dot(g, w2s[...],
                        preferred_element_type=jnp.float32)
            hb = jnp.maximum(t - mivf[...], 0.0).astype(jnp.bfloat16)
            acc = jnp.dot(hb, fw_ref[...],
                          preferred_element_type=jnp.float32)
            off = pl.multiple_of(b * be, be)
            y_all[pl.ds(off, be), :] = acc
            fstat[0:1, :] = fstat[0:1, :] + jnp.sum(acc, axis=0, keepdims=True)
            fstat[1:2, :] = fstat[1:2, :] + jnp.sum(acc * acc, axis=0,
                                                    keepdims=True)

        @pl.when(phase == 2)
        def _p2():
            mu = fstat[0:1, :] * (1.0 / e)
            var = fstat[1:2, :] * (1.0 / e) - mu * mu
            inv = lax.rsqrt(var + 1e-5)
            off = pl.multiple_of(b * be, be)
            yb = y_all[pl.ds(off, be), :]
            out_ref[...] = jnp.maximum((yb - mu) * inv, 0.0)

    return pl.pallas_call(
        body,
        grid=(3, nb),
        in_specs=[
            pl.BlockSpec(memory_space=pltpu.SMEM),
            pl.BlockSpec((be, d), lambda p, b: (jnp.where(p == 2, 0, b), 0)),
            pl.BlockSpec((be, d), lambda p, b: (jnp.where(p == 2, 0, b), 0)),
            pl.BlockSpec((2 * d, ch * d), lambda p, b: (0, 0)),
            pl.BlockSpec((ch * d, d), lambda p, b: (0, 0)),
        ],
        out_specs=pl.BlockSpec((be, d),
                               lambda p, b: (jnp.where(p == 2, b, 0), 0)),
        out_shape=jax.ShapeDtypeStruct((e, d), jnp.float32),
        scratch_shapes=[
            pltpu.VMEM((16, d), jnp.float32),
            pltpu.VMEM((8, d), jnp.float32),
            pltpu.VMEM((e, d), jnp.float32),
            pltpu.VMEM((1, ch * d), jnp.float32),
            pltpu.VMEM((2 * d, ch * d), jnp.bfloat16),
        ],
        compiler_params=pltpu.CompilerParams(
            dimension_semantics=("arbitrary", "arbitrary")),
    )(cwflat, src, rel, w2b, fwb)


def kernel(pre_emb, r_embed, conv_w, conv_b, fc_w, fc_b, edge_src, edge_type):
    del conv_b, fc_b
    d = pre_emb.shape[1]
    ch = conv_w.shape[0]
    ks = conv_w.shape[2]
    src, rel = _sc_gather_pair(pre_emb, r_embed, edge_src, edge_type)
    shift = jnp.stack([
        jnp.eye(d, d, k=ks // 2 - k, dtype=jnp.float32) for k in range(ks)])
    w2 = jnp.einsum("cik,kml->imcl", conv_w, shift).reshape(2 * d, ch * d)
    w2b = w2.astype(jnp.bfloat16)
    fwb = fc_w.astype(jnp.bfloat16)
    cwflat = conv_w.reshape(ch * 2 * ks)
    return _tc_decode(src, rel, w2b, fwb, cwflat, be=1024)

# --- scband reference (transcript-rebuilt; emitter-appended) ---
"""Pipeline reference for scband-decode-40922448396939 (READ-ONLY COPY).

The authoritative reference and input builder live on the scoring server;
editing this copy changes nothing except your own understanding.
"""

import jax, jax.numpy as jnp
import numpy as np

N_ENT = 100000
N_REL = 500
EMB = 128
E = 8192
CH = 50
KS = 3

def setup_inputs(seed: int = 0) -> dict:
    key = jax.random.key(seed)
    ks = jax.random.split(key, 8)
    pre_emb = jax.random.normal(ks[0], (N_ENT, EMB), dtype=jnp.float32)
    r_embed = jax.random.normal(ks[1], (N_REL, EMB), dtype=jnp.float32)
    edge_src = jax.random.randint(ks[2], (E,), 0, N_ENT, dtype=jnp.int64) if jax.config.jax_enable_x64 else jax.random.randint(ks[2], (E,), 0, N_ENT, dtype=jnp.int32)
    edge_type = jax.random.randint(ks[3], (E,), 0, N_REL, dtype=jnp.int32)
    conv_w = jax.random.normal(ks[4], (CH, 2, KS), dtype=jnp.float32) / jnp.sqrt(2.0 * KS)
    conv_b = jnp.zeros((CH,), dtype=jnp.float32)
    fc_w = jax.random.normal(ks[5], (EMB * CH, EMB), dtype=jnp.float32) / jnp.sqrt(EMB * CH)
    fc_b = jnp.zeros((EMB,), dtype=jnp.float32)
    return {"pre_emb": pre_emb, "r_embed": r_embed, "conv_w": conv_w, "conv_b": conv_b, "fc_w": fc_w, "fc_b": fc_b, "edge_src": edge_src, "edge_type": edge_type}


def _bn(x, axes):
    m = jnp.mean(x, axis=axes, keepdims=True)
    v = jnp.var(x, axis=axes, keepdims=True)
    return (x - m) / jnp.sqrt(v + 1e-5)


def reference(pre_emb, r_embed, conv_w, conv_b, fc_w, fc_b, edge_src, edge_type):
    # msg_func core: gather src entity embeddings and relation embeddings per edge
    src = jnp.take(pre_emb, edge_src, axis=0)        # [E, EMB]
    rel = jnp.take(r_embed, edge_type, axis=0)       # [E, EMB]
    x = jnp.stack([src, rel], axis=1)                # [E, 2, EMB] -> two conv channels
    # cov(): inp_drop (p=0, identity) -> conv1d -> bn1 -> relu -> fmap_drop -> fc -> hidden_drop -> bn2 -> relu
    x = jax.lax.conv_general_dilated(
        x, conv_w, window_strides=(1,), padding=[(KS // 2, KS // 2)],
        dimension_numbers=("NCH", "OIH", "NCH"))
    x = x + conv_b[None, :, None]                    # [E, CH, EMB]
    x = _bn(x, (0, 2))                               # BatchNorm1d over (N, L) per channel
    x = jax.nn.relu(x)
    x = x.reshape(x.shape[0], -1)                    # [E, CH*EMB]
    x = x @ fc_w + fc_b                              # [E, EMB]
    x = _bn(x, (0,))                                 # BatchNorm1d per feature
    x = jax.nn.relu(x)
    return x

if __name__ == "__main__":
    import jax
    _d = setup_inputs()
    print(jax.jit(kernel)(*tuple(_d.values())))

</pallas_src>

<mosaic_0001>
#map = affine_map<(d0, d1) -> (0, 0)>
module attributes {stable_mosaic.version = 14 : i64} {
  func.func @gather_kernel(%arg0: i32, %arg1: i32, %arg2: memref<100000x128xf32, #tpu.memory_space<hbm>>, %arg3: memref<500x128xf32, #tpu.memory_space<hbm>>, %arg4: memref<64x128xi32, #tpu.memory_space<hbm>>, %arg5: memref<64x128xi32, #tpu.memory_space<hbm>>, %arg6: memref<8192x128xf32, #tpu.memory_space<hbm>>, %arg7: memref<8192x128xf32, #tpu.memory_space<hbm>>, %arg8: memref<2x128xi32, #tpu.memory_space<vmem>>, %arg9: memref<2x128xi32, #tpu.memory_space<vmem>>, %arg10: memref<256x128xf32, #tpu.memory_space<vmem>>, %arg11: memref<256x128xf32, #tpu.memory_space<vmem>>, %arg12: memref<!tpu.dma_semaphore, #tpu.memory_space<semaphore_mem>>, %arg13: memref<!tpu.dma_semaphore, #tpu.memory_space<semaphore_mem>>) attributes {dimension_semantics = [#tpu.dimension_semantics<core_parallel>, #tpu.dimension_semantics<subcore_parallel>], iteration_bounds = array<i64: 2, 16>, scalar_prefetch = 0 : i64, scratch_operands = 6 : i64, tpu.core_type = #tpu.core_type<sc_vector_subcore>, window_params = [{transform_indices = #map}, {transform_indices = #map}, {transform_indices = #map}, {transform_indices = #map}, {transform_indices = #map}, {transform_indices = #map}]} {
    %mul3A = arith.constant 2 : i32
    %mul3A_0 = arith.muli %arg1, %mul3A : i32
    %add3A = arith.addi %mul3A_0, %arg0 : i32
    %mul3A_1 = arith.constant 256 : i32
    %mul3A_2 = arith.muli %add3A, %mul3A_1 : i32
    %mul3A_3 = arith.constant 2 : i32
    %mul3A_4 = arith.muli %add3A, %mul3A_3 : i32
    "tpu.region"() ({
      %run_scoped3A = tpu.sem_alloc : memref<!tpu.dma_semaphore, #tpu.memory_space<semaphore_mem>>
      %dma_start3A_83 = arith.constant 0 : i32
      %dma_start3A_84 = tpu.memref_slice %arg4[%mul3A_4, %dma_start3A_83] : memref<64x128xi32, #tpu.memory_space<hbm>> -> memref<2x128xi32, #tpu.memory_space<hbm>>
      %dma_start3A_85 = arith.constant 0 : i32
      %dma_start3A_86 = tpu.memref_slice %arg4[%mul3A_4, %dma_start3A_85] : memref<64x128xi32, #tpu.memory_space<hbm>> -> memref<2x128xi32, #tpu.memory_space<hbm>>
      tpu.enqueue_dma source(%dma_start3A_86 : memref<2x128xi32, #tpu.memory_space<hbm>>) target(%arg8 : memref<2x128xi32, #tpu.memory_space<vmem>>) target_semaphore(%run_scoped3A : memref<!tpu.dma_semaphore, #tpu.memory_space<semaphore_mem>>)
      %dma_wait3A_87 = arith.constant 0 : i32
      %dma_wait3A_88 = tpu.memref_slice %arg4[%mul3A_4, %dma_wait3A_87] : memref<64x128xi32, #tpu.memory_space<hbm>> -> memref<2x128xi32, #tpu.memory_space<hbm>>
      %dma_wait3A_89 = arith.constant 0 : i32
      %dma_wait3A_90 = tpu.memref_slice %arg4[%mul3A_4, %dma_wait3A_89] : memref<64x128xi32, #tpu.memory_space<hbm>> -> memref<2x128xi32, #tpu.memory_space<hbm>>
      tpu.wait_dma2 semaphore(%run_scoped3A : memref<!tpu.dma_semaphore, #tpu.memory_space<semaphore_mem>>) src(%dma_wait3A_90 : memref<2x128xi32, #tpu.memory_space<hbm>>) dst(%arg8 : memref<2x128xi32, #tpu.memory_space<vmem>>)
      tpu.yield
    }) : () -> ()
    "tpu.region"() ({
      %run_scoped3A = tpu.sem_alloc : memref<!tpu.dma_semaphore, #tpu.memory_space<semaphore_mem>>
      %dma_start3A_83 = arith.constant 0 : i32
      %dma_start3A_84 = tpu.memref_slice %arg5[%mul3A_4, %dma_start3A_83] : memref<64x128xi32, #tpu.memory_space<hbm>> -> memref<2x128xi32, #tpu.memory_space<hbm>>
      %dma_start3A_85 = arith.constant 0 : i32
      %dma_start3A_86 = tpu.memref_slice %arg5[%mul3A_4, %dma_start3A_85] : memref<64x128xi32, #tpu.memory_space<hbm>> -> memref<2x128xi32, #tpu.memory_space<hbm>>
      tpu.enqueue_dma source(%dma_start3A_86 : memref<2x128xi32, #tpu.memory_space<hbm>>) target(%arg9 : memref<2x128xi32, #tpu.memory_space<vmem>>) target_semaphore(%run_scoped3A : memref<!tpu.dma_semaphore, #tpu.memory_space<semaphore_mem>>)
      %dma_wait3A_87 = arith.constant 0 : i32
      %dma_wait3A_88 = tpu.memref_slice %arg5[%mul3A_4, %dma_wait3A_87] : memref<64x128xi32, #tpu.memory_space<hbm>> -> memref<2x128xi32, #tpu.memory_space<hbm>>
      %dma_wait3A_89 = arith.constant 0 : i32
      %dma_wait3A_90 = tpu.memref_slice %arg5[%mul3A_4, %dma_wait3A_89] : memref<64x128xi32, #tpu.memory_space<hbm>> -> memref<2x128xi32, #tpu.memory_space<hbm>>
      tpu.wait_dma2 semaphore(%run_scoped3A : memref<!tpu.dma_semaphore, #tpu.memory_space<semaphore_mem>>) src(%dma_wait3A_90 : memref<2x128xi32, #tpu.memory_space<hbm>>) dst(%arg9 : memref<2x128xi32, #tpu.memory_space<vmem>>)
      tpu.yield
    }) : () -> ()
    %dma_start3A = arith.constant 0 : i32
    %dma_start3A_5 = arith.constant 0 : i32
    %dma_start3A_6 = arith.constant 0 : i32
    %dma_start3A_7 = tpu.memref_slice %arg10[%dma_start3A_5, %dma_start3A_6] : memref<256x128xf32, #tpu.memory_space<vmem>> -> memref<128x128xf32, #tpu.memory_space<vmem>>
    %dma_start3A_8 = arith.constant 0 : i32
    %dma_start3A_9 = tpu.memref_slice %arg8[%dma_start3A, %dma_start3A_8] : memref<2x128xi32, #tpu.memory_space<vmem>> -> memref<1x128xi32, #tpu.memory_space<vmem>>
    %dma_start3A_10 = tpu.memref_squeeze %dma_start3A_9 : memref<1x128xi32, #tpu.memory_space<vmem>> -> memref<128xi32, #tpu.memory_space<vmem>>
    %dma_start3A_11 = arith.constant 0 : i32
    %dma_start3A_12 = arith.constant 0 : i32
    %dma_start3A_13 = tpu.memref_slice %arg2[%dma_start3A_11, %dma_start3A_12] : memref<100000x128xf32, #tpu.memory_space<hbm>> -> memref<100000x128xf32, #tpu.memory_space<hbm>>
    tpu.enqueue_indirect_dma source(%dma_start3A_13 : memref<100000x128xf32, #tpu.memory_space<hbm>>) target(%dma_start3A_7 : memref<128x128xf32, #tpu.memory_space<vmem>>) offsets(%dma_start3A_10 : memref<128xi32, #tpu.memory_space<vmem>>) semaphore(%arg12 : memref<!tpu.dma_semaphore, #tpu.memory_space<semaphore_mem>>)
    %dma_start3A_14 = arith.constant 0 : i32
    %dma_start3A_15 = arith.constant 0 : i32
    %dma_start3A_16 = arith.constant 0 : i32
    %dma_start3A_17 = tpu.memref_slice %arg11[%dma_start3A_15, %dma_start3A_16] : memref<256x128xf32, #tpu.memory_space<vmem>> -> memref<128x128xf32, #tpu.memory_space<vmem>>
    %dma_start3A_18 = arith.constant 0 : i32
    %dma_start3A_19 = tpu.memref_slice %arg9[%dma_start3A_14, %dma_start3A_18] : memref<2x128xi32, #tpu.memory_space<vmem>> -> memref<1x128xi32, #tpu.memory_space<vmem>>
    %dma_start3A_20 = tpu.memref_squeeze %dma_start3A_19 : memref<1x128xi32, #tpu.memory_space<vmem>> -> memref<128xi32, #tpu.memory_space<vmem>>
    %dma_start3A_21 = arith.constant 0 : i32
    %dma_start3A_22 = arith.constant 0 : i32
    %dma_start3A_23 = tpu.memref_slice %arg3[%dma_start3A_21, %dma_start3A_22] : memref<500x128xf32, #tpu.memory_space<hbm>> -> memref<500x128xf32, #tpu.memory_space<hbm>>
    tpu.enqueue_indirect_dma source(%dma_start3A_23 : memref<500x128xf32, #tpu.memory_space<hbm>>) target(%dma_start3A_17 : memref<128x128xf32, #tpu.memory_space<vmem>>) offsets(%dma_start3A_20 : memref<128xi32, #tpu.memory_space<vmem>>) semaphore(%arg13 : memref<!tpu.dma_semaphore, #tpu.memory_space<semaphore_mem>>)
    %dma_start3A_24 = arith.constant 1 : i32
    %dma_start3A_25 = arith.constant 128 : i32
    %dma_start3A_26 = arith.constant 0 : i32
    %dma_start3A_27 = tpu.memref_slice %arg10[%dma_start3A_25, %dma_start3A_26] : memref<256x128xf32, #tpu.memory_space<vmem>> -> memref<128x128xf32, #tpu.memory_space<vmem>>
    %dma_start3A_28 = arith.constant 0 : i32
    %dma_start3A_29 = tpu.memref_slice %arg8[%dma_start3A_24, %dma_start3A_28] : memref<2x128xi32, #tpu.memory_space<vmem>> -> memref<1x128xi32, #tpu.memory_space<vmem>>
    %dma_start3A_30 = tpu.memref_squeeze %dma_start3A_29 : memref<1x128xi32, #tpu.memory_space<vmem>> -> memref<128xi32, #tpu.memory_space<vmem>>
    %dma_start3A_31 = arith.constant 0 : i32
    %dma_start3A_32 = arith.constant 0 : i32
    %dma_start3A_33 = tpu.memref_slice %arg2[%dma_start3A_31, %dma_start3A_32] : memref<100000x128xf32, #tpu.memory_space<hbm>> -> memref<100000x128xf32, #tpu.memory_space<hbm>>
    tpu.enqueue_indirect_dma source(%dma_start3A_33 : memref<100000x128xf32, #tpu.memory_space<hbm>>) target(%dma_start3A_27 : memref<128x128xf32, #tpu.memory_space<vmem>>) offsets(%dma_start3A_30 : memref<128xi32, #tpu.memory_space<vmem>>) semaphore(%arg12 : memref<!tpu.dma_semaphore, #tpu.memory_space<semaphore_mem>>)
    %dma_start3A_34 = arith.constant 1 : i32
    %dma_start3A_35 = arith.constant 128 : i32
    %dma_start3A_36 = arith.constant 0 : i32
    %dma_start3A_37 = tpu.memref_slice %arg11[%dma_start3A_35, %dma_start3A_36] : memref<256x128xf32, #tpu.memory_space<vmem>> -> memref<128x128xf32, #tpu.memory_space<vmem>>
    %dma_start3A_38 = arith.constant 0 : i32
    %dma_start3A_39 = tpu.memref_slice %arg9[%dma_start3A_34, %dma_start3A_38] : memref<2x128xi32, #tpu.memory_space<vmem>> -> memref<1x128xi32, #tpu.memory_space<vmem>>
    %dma_start3A_40 = tpu.memref_squeeze %dma_start3A_39 : memref<1x128xi32, #tpu.memory_space<vmem>> -> memref<128xi32, #tpu.memory_space<vmem>>
    %dma_start3A_41 = arith.constant 0 : i32
    %dma_start3A_42 = arith.constant 0 : i32
    %dma_start3A_43 = tpu.memref_slice %arg3[%dma_start3A_41, %dma_start3A_42] : memref<500x128xf32, #tpu.memory_space<hbm>> -> memref<500x128xf32, #tpu.memory_space<hbm>>
    tpu.enqueue_indirect_dma source(%dma_start3A_43 : memref<500x128xf32, #tpu.memory_space<hbm>>) target(%dma_start3A_37 : memref<128x128xf32, #tpu.memory_space<vmem>>) offsets(%dma_start3A_40 : memref<128xi32, #tpu.memory_space<vmem>>) semaphore(%arg13 : memref<!tpu.dma_semaphore, #tpu.memory_space<semaphore_mem>>)
    %dma_wait3A = arith.constant 0 : i32
    %dma_wait3A_44 = arith.constant 0 : i32
    %dma_wait3A_45 = arith.constant 0 : i32
    %dma_wait3A_46 = tpu.memref_slice %arg10[%dma_wait3A_44, %dma_wait3A_45] : memref<256x128xf32, #tpu.memory_space<vmem>> -> memref<128x128xf32, #tpu.memory_space<vmem>>
    %dma_wait3A_47 = arith.constant 0 : i32
    %dma_wait3A_48 = tpu.memref_slice %arg8[%dma_wait3A, %dma_wait3A_47] : memref<2x128xi32, #tpu.memory_space<vmem>> -> memref<1x128xi32, #tpu.memory_space<vmem>>
    %dma_wait3A_49 = tpu.memref_squeeze %dma_wait3A_48 : memref<1x128xi32, #tpu.memory_space<vmem>> -> memref<128xi32, #tpu.memory_space<vmem>>
    %dma_wait3A_50 = arith.constant 0 : i32
    %dma_wait3A_51 = arith.constant 0 : i32
    %dma_wait3A_52 = tpu.memref_slice %arg2[%dma_wait3A_50, %dma_wait3A_51] : memref<100000x128xf32, #tpu.memory_space<hbm>> -> memref<100000x128xf32, #tpu.memory_space<hbm>>
    tpu.wait_indirect_dma semaphore(%arg12 : memref<!tpu.dma_semaphore, #tpu.memory_space<semaphore_mem>>) src(%dma_wait3A_52 : memref<100000x128xf32, #tpu.memory_space<hbm>>) dst(%dma_wait3A_46 : memref<128x128xf32, #tpu.memory_space<vmem>>)
    %dma_wait3A_53 = arith.constant 1 : i32
    %dma_wait3A_54 = arith.constant 128 : i32
    %dma_wait3A_55 = arith.constant 0 : i32
    %dma_wait3A_56 = tpu.memref_slice %arg10[%dma_wait3A_54, %dma_wait3A_55] : memref<256x128xf32, #tpu.memory_space<vmem>> -> memref<128x128xf32, #tpu.memory_space<vmem>>
    %dma_wait3A_57 = arith.constant 0 : i32
    %dma_wait3A_58 = tpu.memref_slice %arg8[%dma_wait3A_53, %dma_wait3A_57] : memref<2x128xi32, #tpu.memory_space<vmem>> -> memref<1x128xi32, #tpu.memory_space<vmem>>
    %dma_wait3A_59 = tpu.memref_squeeze %dma_wait3A_58 : memref<1x128xi32, #tpu.memory_space<vmem>> -> memref<128xi32, #tpu.memory_space<vmem>>
    %dma_wait3A_60 = arith.constant 0 : i32
    %dma_wait3A_61 = arith.constant 0 : i32
    %dma_wait3A_62 = tpu.memref_slice %arg2[%dma_wait3A_60, %dma_wait3A_61] : memref<100000x128xf32, #tpu.memory_space<hbm>> -> memref<100000x128xf32, #tpu.memory_space<hbm>>
    tpu.wait_indirect_dma semaphore(%arg12 : memref<!tpu.dma_semaphore, #tpu.memory_space<semaphore_mem>>) src(%dma_wait3A_62 : memref<100000x128xf32, #tpu.memory_space<hbm>>) dst(%dma_wait3A_56 : memref<128x128xf32, #tpu.memory_space<vmem>>)
    "tpu.region"() ({
      %run_scoped3A = tpu.sem_alloc : memref<!tpu.dma_semaphore, #tpu.memory_space<semaphore_mem>>
      %dma_start3A_83 = arith.constant 0 : i32
      %dma_start3A_84 = tpu.memref_slice %arg6[%mul3A_2, %dma_start3A_83] : memref<8192x128xf32, #tpu.memory_space<hbm>> -> memref<256x128xf32, #tpu.memory_space<hbm>>
      %dma_start3A_85 = arith.constant 0 : i32
      %dma_start3A_86 = tpu.memref_slice %arg6[%mul3A_2, %dma_start3A_85] : memref<8192x128xf32, #tpu.memory_space<hbm>> -> memref<256x128xf32, #tpu.memory_space<hbm>>
      tpu.enqueue_dma source(%arg10 : memref<256x128xf32, #tpu.memory_space<vmem>>) target(%dma_start3A_86 : memref<256x128xf32, #tpu.memory_space<hbm>>) target_semaphore(%run_scoped3A : memref<!tpu.dma_semaphore, #tpu.memory_space<semaphore_mem>>)
      %dma_wait3A_87 = arith.constant 0 : i32
      %dma_wait3A_88 = tpu.memref_slice %arg6[%mul3A_2, %dma_wait3A_87] : memref<8192x128xf32, #tpu.memory_space<hbm>> -> memref<256x128xf32, #tpu.memory_space<hbm>>
      %dma_wait3A_89 = arith.constant 0 : i32
      %dma_wait3A_90 = tpu.memref_slice %arg6[%mul3A_2, %dma_wait3A_89] : memref<8192x128xf32, #tpu.memory_space<hbm>> -> memref<256x128xf32, #tpu.memory_space<hbm>>
      tpu.wait_dma2 semaphore(%run_scoped3A : memref<!tpu.dma_semaphore, #tpu.memory_space<semaphore_mem>>) src(%arg10 : memref<256x128xf32, #tpu.memory_space<vmem>>) dst(%dma_wait3A_90 : memref<256x128xf32, #tpu.memory_space<hbm>>)
      tpu.yield
    }) : () -> ()
    %dma_wait3A_63 = arith.constant 0 : i32
    %dma_wait3A_64 = arith.constant 0 : i32
    %dma_wait3A_65 = arith.constant 0 : i32
    %dma_wait3A_66 = tpu.memref_slice %arg11[%dma_wait3A_64, %dma_wait3A_65] : memref<256x128xf32, #tpu.memory_space<vmem>> -> memref<128x128xf32, #tpu.memory_space<vmem>>
    %dma_wait3A_67 = arith.constant 0 : i32
    %dma_wait3A_68 = tpu.memref_slice %arg9[%dma_wait3A_63, %dma_wait3A_67] : memref<2x128xi32, #tpu.memory_space<vmem>> -> memref<1x128xi32, #tpu.memory_space<vmem>>
    %dma_wait3A_69 = tpu.memref_squeeze %dma_wait3A_68 : memref<1x128xi32, #tpu.memory_space<vmem>> -> memref<128xi32, #tpu.memory_space<vmem>>
    %dma_wait3A_70 = arith.constant 0 : i32
    %dma_wait3A_71 = arith.constant 0 : i32
    %dma_wait3A_72 = tpu.memref_slice %arg3[%dma_wait3A_70, %dma_wait3A_71] : memref<500x128xf32, #tpu.memory_space<hbm>> -> memref<500x128xf32, #tpu.memory_space<hbm>>
    tpu.wait_indirect_dma semaphore(%arg13 : memref<!tpu.dma_semaphore, #tpu.memory_space<semaphore_mem>>) src(%dma_wait3A_72 : memref<500x128xf32, #tpu.memory_space<hbm>>) dst(%dma_wait3A_66 : memref<128x128xf32, #tpu.memory_space<vmem>>)
    %dma_wait3A_73 = arith.constant 1 : i32
    %dma_wait3A_74 = arith.constant 128 : i32
    %dma_wait3A_75 = arith.constant 0 : i32
    %dma_wait3A_76 = tpu.memref_slice %arg11[%dma_wait3A_74, %dma_wait3A_75] : memref<256x128xf32, #tpu.memory_space<vmem>> -> memref<128x128xf32, #tpu.memory_space<vmem>>
    %dma_wait3A_77 = arith.constant 0 : i32
    %dma_wait3A_78 = tpu.memref_slice %arg9[%dma_wait3A_73, %dma_wait3A_77] : memref<2x128xi32, #tpu.memory_space<vmem>> -> memref<1x128xi32, #tpu.memory_space<vmem>>
    %dma_wait3A_79 = tpu.memref_squeeze %dma_wait3A_78 : memref<1x128xi32, #tpu.memory_space<vmem>> -> memref<128xi32, #tpu.memory_space<vmem>>
    %dma_wait3A_80 = arith.constant 0 : i32
    %dma_wait3A_81 = arith.constant 0 : i32
    %dma_wait3A_82 = tpu.memref_slice %arg3[%dma_wait3A_80, %dma_wait3A_81] : memref<500x128xf32, #tpu.memory_space<hbm>> -> memref<500x128xf32, #tpu.memory_space<hbm>>
    tpu.wait_indirect_dma semaphore(%arg13 : memref<!tpu.dma_semaphore, #tpu.memory_space<semaphore_mem>>) src(%dma_wait3A_82 : memref<500x128xf32, #tpu.memory_space<hbm>>) dst(%dma_wait3A_76 : memref<128x128xf32, #tpu.memory_space<vmem>>)
    "tpu.region"() ({
      %run_scoped3A = tpu.sem_alloc : memref<!tpu.dma_semaphore, #tpu.memory_space<semaphore_mem>>
      %dma_start3A_83 = arith.constant 0 : i32
      %dma_start3A_84 = tpu.memref_slice %arg7[%mul3A_2, %dma_start3A_83] : memref<8192x128xf32, #tpu.memory_space<hbm>> -> memref<256x128xf32, #tpu.memory_space<hbm>>
      %dma_start3A_85 = arith.constant 0 : i32
      %dma_start3A_86 = tpu.memref_slice %arg7[%mul3A_2, %dma_start3A_85] : memref<8192x128xf32, #tpu.memory_space<hbm>> -> memref<256x128xf32, #tpu.memory_space<hbm>>
      tpu.enqueue_dma source(%arg11 : memref<256x128xf32, #tpu.memory_space<vmem>>) target(%dma_start3A_86 : memref<256x128xf32, #tpu.memory_space<hbm>>) target_semaphore(%run_scoped3A : memref<!tpu.dma_semaphore, #tpu.memory_space<semaphore_mem>>)
      %dma_wait3A_87 = arith.constant 0 : i32
      %dma_wait3A_88 = tpu.memref_slice %arg7[%mul3A_2, %dma_wait3A_87] : memref<8192x128xf32, #tpu.memory_space<hbm>> -> memref<256x128xf32, #tpu.memory_space<hbm>>
      %dma_wait3A_89 = arith.constant 0 : i32
      %dma_wait3A_90 = tpu.memref_slice %arg7[%mul3A_2, %dma_wait3A_89] : memref<8192x128xf32, #tpu.memory_space<hbm>> -> memref<256x128xf32, #tpu.memory_space<hbm>>
      tpu.wait_dma2 semaphore(%run_scoped3A : memref<!tpu.dma_semaphore, #tpu.memory_space<semaphore_mem>>) src(%arg11 : memref<256x128xf32, #tpu.memory_space<vmem>>) dst(%dma_wait3A_90 : memref<256x128xf32, #tpu.memory_space<hbm>>)
      tpu.yield
    }) : () -> ()
    return
  }
}

module attributes {stable_mosaic.version = 14 : i64} {
  func.func @body(%arg0: i32, %arg1: i32, %arg2: memref<300xf32, #tpu.memory_space<smem>>, %arg3: memref<1024x128xf32, #tpu.memory_space<vmem>>, %arg4: memref<1024x128xf32, #tpu.memory_space<vmem>>, %arg5: memref<256x6400xbf16, #tpu.memory_space<vmem>>, %arg6: memref<6400x128xbf16, #tpu.memory_space<vmem>>, %arg7: memref<1024x128xf32, #tpu.memory_space<vmem>>, %arg8: memref<16x128xf32, #tpu.memory_space<vmem>>, %arg9: memref<8x128xf32, #tpu.memory_space<vmem>>, %arg10: memref<8192x128xf32, #tpu.memory_space<vmem>>, %arg11: memref<1x6400xf32, #tpu.memory_space<vmem>>, %arg12: memref<256x6400xbf16, #tpu.memory_space<vmem>>) attributes {dimension_semantics = [#tpu.dimension_semantics<arbitrary>, #tpu.dimension_semantics<arbitrary>], iteration_bounds = array<i64: 3, 8>, scalar_prefetch = 0 : i64, scratch_operands = 5 : i64, tpu.core_type = #tpu.core_type<tc>, window_params = [{transform_indices = @transform_0, window_bounds = array<i64: 300>}, {transform_indices = @transform_1, window_bounds = array<i64: 1024, 128>}, {transform_indices = @transform_2, window_bounds = array<i64: 1024, 128>}, {pipeline_mode = #tpu.pipeline_mode<synchronous>, transform_indices = @transform_3, window_bounds = array<i64: 256, 6400>}, {pipeline_mode = #tpu.pipeline_mode<synchronous>, transform_indices = @transform_4, window_bounds = array<i64: 6400, 128>}, {transform_indices = @transform_5, window_bounds = array<i64: 1024, 128>}]} {
    %eq3A = arith.constant 0 : i32
    %eq3A_0 = arith.cmpi eq, %arg0, %eq3A : i32
    %convert_element_type3A = arith.extui %eq3A_0 : i1 to i32
    %cond3A = arith.constant 0 : i32
    %cond3A_1 = arith.cmpi ne, %convert_element_type3A, %cond3A : i32
    scf.if %cond3A_1 {
      %eq3A_12 = arith.constant 0 : i32
      %eq3A_13 = arith.cmpi eq, %arg1, %eq3A_12 : i32
      %convert_element_type3A_14 = arith.extui %eq3A_13 : i1 to i32
      %cond3A_15 = arith.constant 0 : i32
      %cond3A_16 = arith.cmpi ne, %convert_element_type3A_14, %cond3A_15 : i32
      scf.if %cond3A_16 {
        %broadcast_in_dim3A_177 = arith.constant 0.000000e+00 : f32
        %broadcast_in_dim3A_178 = vector.broadcast %broadcast_in_dim3A_177 : f32 to vector<16x128xf32>
        %swap3A_179 = arith.constant 0 : index
        %swap3A_180 = arith.constant 0 : index
        %swap3A_181 = vector.load %arg8[%swap3A_179, %swap3A_180] : memref<16x128xf32, #tpu.memory_space<vmem>>, vector<16x128xf32>
        tpu.vector_store %arg8[%swap3A_179, %swap3A_180], %broadcast_in_dim3A_178 {strides = array<i32>} : memref<16x128xf32, #tpu.memory_space<vmem>>, vector<16x128xf32>,
      } else {
      }
      %get3A = arith.constant 0 : index
      %get3A_17 = arith.constant 0 : index
      %get3A_18 = vector.load %arg3[%get3A, %get3A_17] : memref<1024x128xf32, #tpu.memory_space<vmem>>, vector<1024x128xf32>
      %get3A_19 = arith.constant 0 : index
      %get3A_20 = arith.constant 0 : index
      %get3A_21 = vector.load %arg4[%get3A_19, %get3A_20] : memref<1024x128xf32, #tpu.memory_space<vmem>>, vector<1024x128xf32>
      %convert_element_type3A_22 = arith.truncf %get3A_18 : vector<1024x128xf32> to vector<1024x128xbf16>
      %convert_element_type3A_23 = arith.truncf %get3A_21 : vector<1024x128xf32> to vector<1024x128xbf16>
      %broadcast_in_dim3A = arith.constant 1.000000e+00 : bf16
      %broadcast_in_dim3A_24 = vector.broadcast %broadcast_in_dim3A : bf16 to vector<8x1024xbf16>
      %dot_general3A = arith.constant dense<0.000000e+00> : vector<8x128xf32>
      %dot_general3A_25 = tpu.matmul %broadcast_in_dim3A_24, %convert_element_type3A_22, %dot_general3A {dimension_numbers = #tpu.dot_dimension_numbers<[1], [0], [0], [1], [0, 0, 1, 1], [], []>, transpose_lhs_hint = false} : vector<8x1024xbf16>, vector<1024x128xbf16>, vector<8x128xf32> -> vector<8x128xf32>
      %get3A_26 = arith.constant 0 : index
      %get3A_27 = arith.constant 0 : index
      %get3A_28 = vector.load %arg8[%get3A_26, %get3A_27] : memref<16x128xf32, #tpu.memory_space<vmem>>, vector<1x128xf32>
      %slice3A = vector.extract_strided_slice %dot_general3A_25 {offsets = [0, 0], sizes = [1, 128], strides = [1, 1]} : vector<8x128xf32> to vector<1x128xf32>
      %add3A = arith.addf %get3A_28, %slice3A : vector<1x128xf32>
      %swap3A = arith.constant 0 : index
      %swap3A_29 = arith.constant 0 : index
      %swap3A_30 = vector.load %arg8[%swap3A, %swap3A_29] : memref<16x128xf32, #tpu.memory_space<vmem>>, vector<1x128xf32>
      tpu.vector_store %arg8[%swap3A, %swap3A_29], %add3A {strides = array<i32>} : memref<16x128xf32, #tpu.memory_space<vmem>>, vector<1x128xf32>,
      %dot_general3A_31 = arith.constant dense<0.000000e+00> : vector<8x128xf32>
      %dot_general3A_32 = tpu.matmul %broadcast_in_dim3A_24, %convert_element_type3A_23, %dot_general3A_31 {dimension_numbers = #tpu.dot_dimension_numbers<[1], [0], [0], [1], [0, 0, 1, 1], [], []>, transpose_lhs_hint = false} : vector<8x1024xbf16>, vector<1024x128xbf16>, vector<8x128xf32> -> vector<8x128xf32>
      %get3A_33 = arith.constant 1 : index
      %get3A_34 = arith.constant 0 : index
      %get3A_35 = vector.load %arg8[%get3A_33, %get3A_34] : memref<16x128xf32, #tpu.memory_space<vmem>>, vector<1x128xf32>
      %slice3A_36 = vector.extract_strided_slice %dot_general3A_32 {offsets = [0, 0], sizes = [1, 128], strides = [1, 1]} : vector<8x128xf32> to vector<1x128xf32>
      %add3A_37 = arith.addf %get3A_35, %slice3A_36 : vector<1x128xf32>
      %swap3A_38 = arith.constant 1 : index
      %swap3A_39 = arith.constant 0 : index
      %swap3A_40 = vector.load %arg8[%swap3A_38, %swap3A_39] : memref<16x128xf32, #tpu.memory_space<vmem>>, vector<1x128xf32>
      tpu.vector_store %arg8[%swap3A_38, %swap3A_39], %add3A_37 {strides = array<i32>} : memref<16x128xf32, #tpu.memory_space<vmem>>, vector<1x128xf32>,
      %mul3A = arith.mulf %convert_element_type3A_22, %convert_element_type3A_22 : vector<1024x128xbf16>
      %dot_general3A_41 = arith.constant dense<0.000000e+00> : vector<8x128xf32>
      %dot_general3A_42 = tpu.matmul %broadcast_in_dim3A_24, %mul3A, %dot_general3A_41 {dimension_numbers = #tpu.dot_dimension_numbers<[1], [0], [0], [1], [0, 0, 1, 1], [], []>, transpose_lhs_hint = false} : vector<8x1024xbf16>, vector<1024x128xbf16>, vector<8x128xf32> -> vector<8x128xf32>
      %get3A_43 = arith.constant 2 : index
      %get3A_44 = arith.constant 0 : index
      %get3A_45 = vector.load %arg8[%get3A_43, %get3A_44] : memref<16x128xf32, #tpu.memory_space<vmem>>, vector<1x128xf32>
      %slice3A_46 = vector.extract_strided_slice %dot_general3A_42 {offsets = [0, 0], sizes = [1, 128], strides = [1, 1]} : vector<8x128xf32> to vector<1x128xf32>
      %add3A_47 = arith.addf %get3A_45, %slice3A_46 : vector<1x128xf32>
      %swap3A_48 = arith.constant 2 : index
      %swap3A_49 = arith.constant 0 : index
      %swap3A_50 = vector.load %arg8[%swap3A_48, %swap3A_49] : memref<16x128xf32, #tpu.memory_space<vmem>>, vector<1x128xf32>
      tpu.vector_store %arg8[%swap3A_48, %swap3A_49], %add3A_47 {strides = array<i32>} : memref<16x128xf32, #tpu.memory_space<vmem>>, vector<1x128xf32>,
      %mul3A_51 = arith.mulf %convert_element_type3A_22, %convert_element_type3A_23 : vector<1024x128xbf16>
      %dot_general3A_52 = arith.constant dense<0.000000e+00> : vector<8x128xf32>
      %dot_general3A_53 = tpu.matmul %broadcast_in_dim3A_24, %mul3A_51, %dot_general3A_52 {dimension_numbers = #tpu.dot_dimension_numbers<[1], [0], [0], [1], [0, 0, 1, 1], [], []>, transpose_lhs_hint = false} : vector<8x1024xbf16>, vector<1024x128xbf16>, vector<8x128xf32> -> vector<8x128xf32>
      %get3A_54 = arith.constant 3 : index
      %get3A_55 = arith.constant 0 : index
      %get3A_56 = vector.load %arg8[%get3A_54, %get3A_55] : memref<16x128xf32, #tpu.memory_space<vmem>>, vector<1x128xf32>
      %slice3A_57 = vector.extract_strided_slice %dot_general3A_53 {offsets = [0, 0], sizes = [1, 128], strides = [1, 1]} : vector<8x128xf32> to vector<1x128xf32>
      %add3A_58 = arith.addf %get3A_56, %slice3A_57 : vector<1x128xf32>
      %swap3A_59 = arith.constant 3 : index
      %swap3A_60 = arith.constant 0 : index
      %swap3A_61 = vector.load %arg8[%swap3A_59, %swap3A_60] : memref<16x128xf32, #tpu.memory_space<vmem>>, vector<1x128xf32>
      tpu.vector_store %arg8[%swap3A_59, %swap3A_60], %add3A_58 {strides = array<i32>} : memref<16x128xf32, #tpu.memory_space<vmem>>, vector<1x128xf32>,
      %mul3A_62 = arith.mulf %convert_element_type3A_23, %convert_element_type3A_23 : vector<1024x128xbf16>
      %dot_general3A_63 = arith.constant dense<0.000000e+00> : vector<8x128xf32>
      %dot_general3A_64 = tpu.matmul %broadcast_in_dim3A_24, %mul3A_62, %dot_general3A_63 {dimension_numbers = #tpu.dot_dimension_numbers<[1], [0], [0], [1], [0, 0, 1, 1], [], []>, transpose_lhs_hint = false} : vector<8x1024xbf16>, vector<1024x128xbf16>, vector<8x128xf32> -> vector<8x128xf32>
      %get3A_65 = arith.constant 4 : index
      %get3A_66 = arith.constant 0 : index
      %get3A_67 = vector.load %arg8[%get3A_65, %get3A_66] : memref<16x128xf32, #tpu.memory_space<vmem>>, vector<1x128xf32>
      %slice3A_68 = vector.extract_strided_slice %dot_general3A_64 {offsets = [0, 0], sizes = [1, 128], strides = [1, 1]} : vector<8x128xf32> to vector<1x128xf32>
      %add3A_69 = arith.addf %get3A_67, %slice3A_68 : vector<1x128xf32>
      %swap3A_70 = arith.constant 4 : index
      %swap3A_71 = arith.constant 0 : index
      %swap3A_72 = vector.load %arg8[%swap3A_70, %swap3A_71] : memref<16x128xf32, #tpu.memory_space<vmem>>, vector<1x128xf32>
      tpu.vector_store %arg8[%swap3A_70, %swap3A_71], %add3A_69 {strides = array<i32>} : memref<16x128xf32, #tpu.memory_space<vmem>>, vector<1x128xf32>,
      %slice3A_73 = vector.extract_strided_slice %convert_element_type3A_22 {offsets = [0, 0], sizes = [1024, 127], strides = [1, 1]} : vector<1024x128xbf16> to vector<1024x127xbf16>
      %slice3A_74 = vector.extract_strided_slice %convert_element_type3A_22 {offsets = [0, 1], sizes = [1024, 127], strides = [1, 1]} : vector<1024x128xbf16> to vector<1024x127xbf16>
      %mul3A_75 = arith.mulf %slice3A_73, %slice3A_74 : vector<1024x127xbf16>
      %dot_general3A_76 = arith.constant dense<0.000000e+00> : vector<8x127xf32>
      %dot_general3A_77 = tpu.matmul %broadcast_in_dim3A_24, %mul3A_75, %dot_general3A_76 {dimension_numbers = #tpu.dot_dimension_numbers<[1], [0], [0], [1], [0, 0, 1, 1], [], []>, transpose_lhs_hint = false} : vector<8x1024xbf16>, vector<1024x127xbf16>, vector<8x127xf32> -> vector<8x127xf32>
      %get3A_78 = arith.constant 5 : index
      %get3A_79 = arith.constant 0 : index
      %get3A_80 = vector.load %arg8[%get3A_78, %get3A_79] : memref<16x128xf32, #tpu.memory_space<vmem>>, vector<1x127xf32>
      %slice3A_81 = vector.extract_strided_slice %dot_general3A_77 {offsets = [0, 0], sizes = [1, 127], strides = [1, 1]} : vector<8x127xf32> to vector<1x127xf32>
      %add3A_82 = arith.addf %get3A_80, %slice3A_81 : vector<1x127xf32>
      %swap3A_83 = arith.constant 5 : index
      %swap3A_84 = arith.constant 0 : index
      %swap3A_85 = vector.load %arg8[%swap3A_83, %swap3A_84] : memref<16x128xf32, #tpu.memory_space<vmem>>, vector<1x127xf32>
      tpu.vector_store %arg8[%swap3A_83, %swap3A_84], %add3A_82 {strides = array<i32>} : memref<16x128xf32, #tpu.memory_space<vmem>>, vector<1x127xf32>,
      %slice3A_86 = vector.extract_strided_slice %convert_element_type3A_22 {offsets = [0, 0], sizes = [1024, 127], strides = [1, 1]} : vector<1024x128xbf16> to vector<1024x127xbf16>
      %slice3A_87 = vector.extract_strided_slice %convert_element_type3A_23 {offsets = [0, 1], sizes = [1024, 127], strides = [1, 1]} : vector<1024x128xbf16> to vector<1024x127xbf16>
      %mul3A_88 = arith.mulf %slice3A_86, %slice3A_87 : vector<1024x127xbf16>
      %dot_general3A_89 = arith.constant dense<0.000000e+00> : vector<8x127xf32>
      %dot_general3A_90 = tpu.matmul %broadcast_in_dim3A_24, %mul3A_88, %dot_general3A_89 {dimension_numbers = #tpu.dot_dimension_numbers<[1], [0], [0], [1], [0, 0, 1, 1], [], []>, transpose_lhs_hint = false} : vector<8x1024xbf16>, vector<1024x127xbf16>, vector<8x127xf32> -> vector<8x127xf32>
      %get3A_91 = arith.constant 6 : index
      %get3A_92 = arith.constant 0 : index
      %get3A_93 = vector.load %arg8[%get3A_91, %get3A_92] : memref<16x128xf32, #tpu.memory_space<vmem>>, vector<1x127xf32>
      %slice3A_94 = vector.extract_strided_slice %dot_general3A_90 {offsets = [0, 0], sizes = [1, 127], strides = [1, 1]} : vector<8x127xf32> to vector<1x127xf32>
      %add3A_95 = arith.addf %get3A_93, %slice3A_94 : vector<1x127xf32>
      %swap3A_96 = arith.constant 6 : index
      %swap3A_97 = arith.constant 0 : index
      %swap3A_98 = vector.load %arg8[%swap3A_96, %swap3A_97] : memref<16x128xf32, #tpu.memory_space<vmem>>, vector<1x127xf32>
      tpu.vector_store %arg8[%swap3A_96, %swap3A_97], %add3A_95 {strides = array<i32>} : memref<16x128xf32, #tpu.memory_space<vmem>>, vector<1x127xf32>,
      %slice3A_99 = vector.extract_strided_slice %convert_element_type3A_23 {offsets = [0, 0], sizes = [1024, 127], strides = [1, 1]} : vector<1024x128xbf16> to vector<1024x127xbf16>
      %slice3A_100 = vector.extract_strided_slice %convert_element_type3A_22 {offsets = [0, 1], sizes = [1024, 127], strides = [1, 1]} : vector<1024x128xbf16> to vector<1024x127xbf16>
      %mul3A_101 = arith.mulf %slice3A_99, %slice3A_100 : vector<1024x127xbf16>
      %dot_general3A_102 = arith.constant dense<0.000000e+00> : vector<8x127xf32>
      %dot_general3A_103 = tpu.matmul %broadcast_in_dim3A_24, %mul3A_101, %dot_general3A_102 {dimension_numbers = #tpu.dot_dimension_numbers<[1], [0], [0], [1], [0, 0, 1, 1], [], []>, transpose_lhs_hint = false} : vector<8x1024xbf16>, vector<1024x127xbf16>, vector<8x127xf32> -> vector<8x127xf32>
      %get3A_104 = arith.constant 7 : index
      %get3A_105 = arith.constant 0 : index
      %get3A_106 = vector.load %arg8[%get3A_104, %get3A_105] : memref<16x128xf32, #tpu.memory_space<vmem>>, vector<1x127xf32>
      %slice3A_107 = vector.extract_strided_slice %dot_general3A_103 {offsets = [0, 0], sizes = [1, 127], strides = [1, 1]} : vector<8x127xf32> to vector<1x127xf32>
      %add3A_108 = arith.addf %get3A_106, %slice3A_107 : vector<1x127xf32>
      %swap3A_109 = arith.constant 7 : index
      %swap3A_110 = arith.constant 0 : index
      %swap3A_111 = vector.load %arg8[%swap3A_109, %swap3A_110] : memref<16x128xf32, #tpu.memory_space<vmem>>, vector<1x127xf32>
      tpu.vector_store %arg8[%swap3A_109, %swap3A_110], %add3A_108 {strides = array<i32>} : memref<16x128xf32, #tpu.memory_space<vmem>>, vector<1x127xf32>,
      %slice3A_112 = vector.extract_strided_slice %convert_element_type3A_23 {offsets = [0, 0], sizes = [1024, 127], strides = [1, 1]} : vector<1024x128xbf16> to vector<1024x127xbf16>
      %slice3A_113 = vector.extract_strided_slice %convert_element_type3A_23 {offsets = [0, 1], sizes = [1024, 127], strides = [1, 1]} : vector<1024x128xbf16> to vector<1024x127xbf16>
      %mul3A_114 = arith.mulf %slice3A_112, %slice3A_113 : vector<1024x127xbf16>
      %dot_general3A_115 = arith.constant dense<0.000000e+00> : vector<8x127xf32>
      %dot_general3A_116 = tpu.matmul %broadcast_in_dim3A_24, %mul3A_114, %dot_general3A_115 {dimension_numbers = #tpu.dot_dimension_numbers<[1], [0], [0], [1], [0, 0, 1, 1], [], []>, transpose_lhs_hint = false} : vector<8x1024xbf16>, vector<1024x127xbf16>, vector<8x127xf32> -> vector<8x127xf32>
      %get3A_117 = arith.constant 8 : index
      %get3A_118 = arith.constant 0 : index
      %get3A_119 = vector.load %arg8[%get3A_117, %get3A_118] : memref<16x128xf32, #tpu.memory_space<vmem>>, vector<1x127xf32>
      %slice3A_120 = vector.extract_strided_slice %dot_general3A_116 {offsets = [0, 0], sizes = [1, 127], strides = [1, 1]} : vector<8x127xf32> to vector<1x127xf32>
      %add3A_121 = arith.addf %get3A_119, %slice3A_120 : vector<1x127xf32>
      %swap3A_122 = arith.constant 8 : index
      %swap3A_123 = arith.constant 0 : index
      %swap3A_124 = vector.load %arg8[%swap3A_122, %swap3A_123] : memref<16x128xf32, #tpu.memory_space<vmem>>, vector<1x127xf32>
      tpu.vector_store %arg8[%swap3A_122, %swap3A_123], %add3A_121 {strides = array<i32>} : memref<16x128xf32, #tpu.memory_space<vmem>>, vector<1x127xf32>,
      %slice3A_125 = vector.extract_strided_slice %convert_element_type3A_22 {offsets = [0, 0], sizes = [1024, 126], strides = [1, 1]} : vector<1024x128xbf16> to vector<1024x126xbf16>
      %slice3A_126 = vector.extract_strided_slice %convert_element_type3A_22 {offsets = [0, 2], sizes = [1024, 126], strides = [1, 1]} : vector<1024x128xbf16> to vector<1024x126xbf16>
      %mul3A_127 = arith.mulf %slice3A_125, %slice3A_126 : vector<1024x126xbf16>
      %dot_general3A_128 = arith.constant dense<0.000000e+00> : vector<8x126xf32>
      %dot_general3A_129 = tpu.matmul %broadcast_in_dim3A_24, %mul3A_127, %dot_general3A_128 {dimension_numbers = #tpu.dot_dimension_numbers<[1], [0], [0], [1], [0, 0, 1, 1], [], []>, transpose_lhs_hint = false} : vector<8x1024xbf16>, vector<1024x126xbf16>, vector<8x126xf32> -> vector<8x126xf32>
      %get3A_130 = arith.constant 9 : index
      %get3A_131 = arith.constant 0 : index
      %get3A_132 = vector.load %arg8[%get3A_130, %get3A_131] : memref<16x128xf32, #tpu.memory_space<vmem>>, vector<1x126xf32>
      %slice3A_133 = vector.extract_strided_slice %dot_general3A_129 {offsets = [0, 0], sizes = [1, 126], strides = [1, 1]} : vector<8x126xf32> to vector<1x126xf32>
      %add3A_134 = arith.addf %get3A_132, %slice3A_133 : vector<1x126xf32>
      %swap3A_135 = arith.constant 9 : index
      %swap3A_136 = arith.constant 0 : index
      %swap3A_137 = vector.load %arg8[%swap3A_135, %swap3A_136] : memref<16x128xf32, #tpu.memory_space<vmem>>, vector<1x126xf32>
      tpu.vector_store %arg8[%swap3A_135, %swap3A_136], %add3A_134 {strides = array<i32>} : memref<16x128xf32, #tpu.memory_space<vmem>>, vector<1x126xf32>,
      %slice3A_138 = vector.extract_strided_slice %convert_element_type3A_22 {offsets = [0, 0], sizes = [1024, 126], strides = [1, 1]} : vector<1024x128xbf16> to vector<1024x126xbf16>
      %slice3A_139 = vector.extract_strided_slice %convert_element_type3A_23 {offsets = [0, 2], sizes = [1024, 126], strides = [1, 1]} : vector<1024x128xbf16> to vector<1024x126xbf16>
      %mul3A_140 = arith.mulf %slice3A_138, %slice3A_139 : vector<1024x126xbf16>
      %dot_general3A_141 = arith.constant dense<0.000000e+00> : vector<8x126xf32>
      %dot_general3A_142 = tpu.matmul %broadcast_in_dim3A_24, %mul3A_140, %dot_general3A_141 {dimension_numbers = #tpu.dot_dimension_numbers<[1], [0], [0], [1], [0, 0, 1, 1], [], []>, transpose_lhs_hint = false} : vector<8x1024xbf16>, vector<1024x126xbf16>, vector<8x126xf32> -> vector<8x126xf32>
      %get3A_143 = arith.constant 10 : index
      %get3A_144 = arith.constant 0 : index
      %get3A_145 = vector.load %arg8[%get3A_143, %get3A_144] : memref<16x128xf32, #tpu.memory_space<vmem>>, vector<1x126xf32>
      %slice3A_146 = vector.extract_strided_slice %dot_general3A_142 {offsets = [0, 0], sizes = [1, 126], strides = [1, 1]} : vector<8x126xf32> to vector<1x126xf32>
      %add3A_147 = arith.addf %get3A_145, %slice3A_146 : vector<1x126xf32>
      %swap3A_148 = arith.constant 10 : index
      %swap3A_149 = arith.constant 0 : index
      %swap3A_150 = vector.load %arg8[%swap3A_148, %swap3A_149] : memref<16x128xf32, #tpu.memory_space<vmem>>, vector<1x126xf32>
      tpu.vector_store %arg8[%swap3A_148, %swap3A_149], %add3A_147 {strides = array<i32>} : memref<16x128xf32, #tpu.memory_space<vmem>>, vector<1x126xf32>,
      %slice3A_151 = vector.extract_strided_slice %convert_element_type3A_23 {offsets = [0, 0], sizes = [1024, 126], strides = [1, 1]} : vector<1024x128xbf16> to vector<1024x126xbf16>
      %slice3A_152 = vector.extract_strided_slice %convert_element_type3A_22 {offsets = [0, 2], sizes = [1024, 126], strides = [1, 1]} : vector<1024x128xbf16> to vector<1024x126xbf16>
      %mul3A_153 = arith.mulf %slice3A_151, %slice3A_152 : vector<1024x126xbf16>
      %dot_general3A_154 = arith.constant dense<0.000000e+00> : vector<8x126xf32>
      %dot_general3A_155 = tpu.matmul %broadcast_in_dim3A_24, %mul3A_153, %dot_general3A_154 {dimension_numbers = #tpu.dot_dimension_numbers<[1], [0], [0], [1], [0, 0, 1, 1], [], []>, transpose_lhs_hint = false} : vector<8x1024xbf16>, vector<1024x126xbf16>, vector<8x126xf32> -> vector<8x126xf32>
      %get3A_156 = arith.constant 11 : index
      %get3A_157 = arith.constant 0 : index
      %get3A_158 = vector.load %arg8[%get3A_156, %get3A_157] : memref<16x128xf32, #tpu.memory_space<vmem>>, vector<1x126xf32>
      %slice3A_159 = vector.extract_strided_slice %dot_general3A_155 {offsets = [0, 0], sizes = [1, 126], strides = [1, 1]} : vector<8x126xf32> to vector<1x126xf32>
      %add3A_160 = arith.addf %get3A_158, %slice3A_159 : vector<1x126xf32>
      %swap3A_161 = arith.constant 11 : index
      %swap3A_162 = arith.constant 0 : index
      %swap3A_163 = vector.load %arg8[%swap3A_161, %swap3A_162] : memref<16x128xf32, #tpu.memory_space<vmem>>, vector<1x126xf32>
      tpu.vector_store %arg8[%swap3A_161, %swap3A_162], %add3A_160 {strides = array<i32>} : memref<16x128xf32, #tpu.memory_space<vmem>>, vector<1x126xf32>,
      %slice3A_164 = vector.extract_strided_slice %convert_element_type3A_23 {offsets = [0, 0], sizes = [1024, 126], strides = [1, 1]} : vector<1024x128xbf16> to vector<1024x126xbf16>
      %slice3A_165 = vector.extract_strided_slice %convert_element_type3A_23 {offsets = [0, 2], sizes = [1024, 126], strides = [1, 1]} : vector<1024x128xbf16> to vector<1024x126xbf16>
      %mul3A_166 = arith.mulf %slice3A_164, %slice3A_165 : vector<1024x126xbf16>
      %dot_general3A_167 = arith.constant dense<0.000000e+00> : vector<8x126xf32>
      %dot_general3A_168 = tpu.matmul %broadcast_in_dim3A_24, %mul3A_166, %dot_general3A_167 {dimension_numbers = #tpu.dot_dimension_numbers<[1], [0], [0], [1], [0, 0, 1, 1], [], []>, transpose_lhs_hint = false} : vector<8x1024xbf16>, vector<1024x126xbf16>, vector<8x126xf32> -> vector<8x126xf32>
      %get3A_169 = arith.constant 12 : index
      %get3A_170 = arith.constant 0 : index
      %get3A_171 = vector.load %arg8[%get3A_169, %get3A_170] : memref<16x128xf32, #tpu.memory_space<vmem>>, vector<1x126xf32>
      %slice3A_172 = vector.extract_strided_slice %dot_general3A_168 {offsets = [0, 0], sizes = [1, 126], strides = [1, 1]} : vector<8x126xf32> to vector<1x126xf32>
      %add3A_173 = arith.addf %get3A_171, %slice3A_172 : vector<1x126xf32>
      %swap3A_174 = arith.constant 12 : index
      %swap3A_175 = arith.constant 0 : index
      %swap3A_176 = vector.load %arg8[%swap3A_174, %swap3A_175] : memref<16x128xf32, #tpu.memory_space<vmem>>, vector<1x126xf32>
      tpu.vector_store %arg8[%swap3A_174, %swap3A_175], %add3A_173 {strides = array<i32>} : memref<16x128xf32, #tpu.memory_space<vmem>>, vector<1x126xf32>,
    } else {
    }
    %eq3A_2 = arith.constant 1 : i32
    %eq3A_3 = arith.cmpi eq, %arg0, %eq3A_2 : i32
    %convert_element_type3A_4 = arith.extui %eq3A_3 : i1 to i32
    %cond3A_5 = arith.constant 0 : i32
    %cond3A_6 = arith.cmpi ne, %convert_element_type3A_4, %cond3A_5 : i32
    scf.if %cond3A_6 {
      %eq3A_12 = arith.constant 0 : i32
      %eq3A_13 = arith.cmpi eq, %arg1, %eq3A_12 : i32
      %convert_element_type3A_14 = arith.extui %eq3A_13 : i1 to i32
      %cond3A_15 = arith.constant 0 : i32
      %cond3A_16 = arith.cmpi ne, %convert_element_type3A_14, %cond3A_15 : i32
      scf.if %cond3A_16 {
        %get3A_60 = arith.constant 0 : index
        %get3A_61 = arith.constant 0 : index
        %get3A_62 = vector.load %arg8[%get3A_60, %get3A_61] : memref<16x128xf32, #tpu.memory_space<vmem>>, vector<1x128xf32>
        %reduce_sum3A_63 = vector.shape_cast %get3A_62 : vector<1x128xf32> to vector<1x1x128xf32>
        %reduce_sum3A_64 = arith.constant dense<0.000000e+00> : vector<1xf32>
        %reduce_sum3A_65 = vector.multi_reduction <add>, %reduce_sum3A_63, %reduce_sum3A_64 [1, 2] : vector<1x1x128xf32> to vector<1xf32>
        %reduce_sum3A_66 = vector.shape_cast %reduce_sum3A_65 : vector<1xf32> to vector<1x1x1xf32>
        %reduce_sum3A_67 = vector.extract %reduce_sum3A_66[0, 0, 0] : f32 from vector<1x1x1xf32>
        %get3A_68 = arith.constant 1 : index
        %get3A_69 = arith.constant 0 : index
        %get3A_70 = vector.load %arg8[%get3A_68, %get3A_69] : memref<16x128xf32, #tpu.memory_space<vmem>>, vector<1x128xf32>
        %reduce_sum3A_71 = vector.shape_cast %get3A_70 : vector<1x128xf32> to vector<1x1x128xf32>
        %reduce_sum3A_72 = arith.constant dense<0.000000e+00> : vector<1xf32>
        %reduce_sum3A_73 = vector.multi_reduction <add>, %reduce_sum3A_71, %reduce_sum3A_72 [1, 2] : vector<1x1x128xf32> to vector<1xf32>
        %reduce_sum3A_74 = vector.shape_cast %reduce_sum3A_73 : vector<1xf32> to vector<1x1x1xf32>
        %reduce_sum3A_75 = vector.extract %reduce_sum3A_74[0, 0, 0] : f32 from vector<1x1x1xf32>
        %get3A_76 = arith.constant 2 : index
        %get3A_77 = arith.constant 0 : index
        %get3A_78 = vector.load %arg8[%get3A_76, %get3A_77] : memref<16x128xf32, #tpu.memory_space<vmem>>, vector<1x128xf32>
        %reduce_sum3A_79 = vector.shape_cast %get3A_78 : vector<1x128xf32> to vector<1x1x128xf32>
        %reduce_sum3A_80 = arith.constant dense<0.000000e+00> : vector<1xf32>
        %reduce_sum3A_81 = vector.multi_reduction <add>, %reduce_sum3A_79, %reduce_sum3A_80 [1, 2] : vector<1x1x128xf32> to vector<1xf32>
        %reduce_sum3A_82 = vector.shape_cast %reduce_sum3A_81 : vector<1xf32> to vector<1x1x1xf32>
        %reduce_sum3A_83 = vector.extract %reduce_sum3A_82[0, 0, 0] : f32 from vector<1x1x1xf32>
        %get3A_84 = arith.constant 3 : index
        %get3A_85 = arith.constant 0 : index
        %get3A_86 = vector.load %arg8[%get3A_84, %get3A_85] : memref<16x128xf32, #tpu.memory_space<vmem>>, vector<1x128xf32>
        %reduce_sum3A_87 = vector.shape_cast %get3A_86 : vector<1x128xf32> to vector<1x1x128xf32>
        %reduce_sum3A_88 = arith.constant dense<0.000000e+00> : vector<1xf32>
        %reduce_sum3A_89 = vector.multi_reduction <add>, %reduce_sum3A_87, %reduce_sum3A_88 [1, 2] : vector<1x1x128xf32> to vector<1xf32>
        %reduce_sum3A_90 = vector.shape_cast %reduce_sum3A_89 : vector<1xf32> to vector<1x1x1xf32>
        %reduce_sum3A_91 = vector.extract %reduce_sum3A_90[0, 0, 0] : f32 from vector<1x1x1xf32>
        %get3A_92 = arith.constant 4 : index
        %get3A_93 = arith.constant 0 : index
        %get3A_94 = vector.load %arg8[%get3A_92, %get3A_93] : memref<16x128xf32, #tpu.memory_space<vmem>>, vector<1x128xf32>
        %reduce_sum3A_95 = vector.shape_cast %get3A_94 : vector<1x128xf32> to vector<1x1x128xf32>
        %reduce_sum3A_96 = arith.constant dense<0.000000e+00> : vector<1xf32>
        %reduce_sum3A_97 = vector.multi_reduction <add>, %reduce_sum3A_95, %reduce_sum3A_96 [1, 2] : vector<1x1x128xf32> to vector<1xf32>
        %reduce_sum3A_98 = vector.shape_cast %reduce_sum3A_97 : vector<1xf32> to vector<1x1x1xf32>
        %reduce_sum3A_99 = vector.extract %reduce_sum3A_98[0, 0, 0] : f32 from vector<1x1x1xf32>
        %get3A_100 = arith.constant 5 : index
        %get3A_101 = arith.constant 0 : index
        %get3A_102 = vector.load %arg8[%get3A_100, %get3A_101] : memref<16x128xf32, #tpu.memory_space<vmem>>, vector<1x128xf32>
        %reduce_sum3A_103 = vector.shape_cast %get3A_102 : vector<1x128xf32> to vector<1x1x128xf32>
        %reduce_sum3A_104 = arith.constant dense<0.000000e+00> : vector<1xf32>
        %reduce_sum3A_105 = vector.multi_reduction <add>, %reduce_sum3A_103, %reduce_sum3A_104 [1, 2] : vector<1x1x128xf32> to vector<1xf32>
        %reduce_sum3A_106 = vector.shape_cast %reduce_sum3A_105 : vector<1xf32> to vector<1x1x1xf32>
        %reduce_sum3A_107 = vector.extract %reduce_sum3A_106[0, 0, 0] : f32 from vector<1x1x1xf32>
        %get3A_108 = arith.constant 6 : index
        %get3A_109 = arith.constant 0 : index
        %get3A_110 = vector.load %arg8[%get3A_108, %get3A_109] : memref<16x128xf32, #tpu.memory_space<vmem>>, vector<1x128xf32>
        %reduce_sum3A_111 = vector.shape_cast %get3A_110 : vector<1x128xf32> to vector<1x1x128xf32>
        %reduce_sum3A_112 = arith.constant dense<0.000000e+00> : vector<1xf32>
        %reduce_sum3A_113 = vector.multi_reduction <add>, %reduce_sum3A_111, %reduce_sum3A_112 [1, 2] : vector<1x1x128xf32> to vector<1xf32>
        %reduce_sum3A_114 = vector.shape_cast %reduce_sum3A_113 : vector<1xf32> to vector<1x1x1xf32>
        %reduce_sum3A_115 = vector.extract %reduce_sum3A_114[0, 0, 0] : f32 from vector<1x1x1xf32>
        %get3A_116 = arith.constant 7 : index
        %get3A_117 = arith.constant 0 : index
        %get3A_118 = vector.load %arg8[%get3A_116, %get3A_117] : memref<16x128xf32, #tpu.memory_space<vmem>>, vector<1x128xf32>
        %reduce_sum3A_119 = vector.shape_cast %get3A_118 : vector<1x128xf32> to vector<1x1x128xf32>
        %reduce_sum3A_120 = arith.constant dense<0.000000e+00> : vector<1xf32>
        %reduce_sum3A_121 = vector.multi_reduction <add>, %reduce_sum3A_119, %reduce_sum3A_120 [1, 2] : vector<1x1x128xf32> to vector<1xf32>
        %reduce_sum3A_122 = vector.shape_cast %reduce_sum3A_121 : vector<1xf32> to vector<1x1x1xf32>
        %reduce_sum3A_123 = vector.extract %reduce_sum3A_122[0, 0, 0] : f32 from vector<1x1x1xf32>
        %get3A_124 = arith.constant 8 : index
        %get3A_125 = arith.constant 0 : index
        %get3A_126 = vector.load %arg8[%get3A_124, %get3A_125] : memref<16x128xf32, #tpu.memory_space<vmem>>, vector<1x128xf32>
        %reduce_sum3A_127 = vector.shape_cast %get3A_126 : vector<1x128xf32> to vector<1x1x128xf32>
        %reduce_sum3A_128 = arith.constant dense<0.000000e+00> : vector<1xf32>
        %reduce_sum3A_129 = vector.multi_reduction <add>, %reduce_sum3A_127, %reduce_sum3A_128 [1, 2] : vector<1x1x128xf32> to vector<1xf32>
        %reduce_sum3A_130 = vector.shape_cast %reduce_sum3A_129 : vector<1xf32> to vector<1x1x1xf32>
        %reduce_sum3A_131 = vector.extract %reduce_sum3A_130[0, 0, 0] : f32 from vector<1x1x1xf32>
        %get3A_132 = arith.constant 9 : index
        %get3A_133 = arith.constant 0 : index
        %get3A_134 = vector.load %arg8[%get3A_132, %get3A_133] : memref<16x128xf32, #tpu.memory_space<vmem>>, vector<1x128xf32>
        %reduce_sum3A_135 = vector.shape_cast %get3A_134 : vector<1x128xf32> to vector<1x1x128xf32>
        %reduce_sum3A_136 = arith.constant dense<0.000000e+00> : vector<1xf32>
        %reduce_sum3A_137 = vector.multi_reduction <add>, %reduce_sum3A_135, %reduce_sum3A_136 [1, 2] : vector<1x1x128xf32> to vector<1xf32>
        %reduce_sum3A_138 = vector.shape_cast %reduce_sum3A_137 : vector<1xf32> to vector<1x1x1xf32>
        %reduce_sum3A_139 = vector.extract %reduce_sum3A_138[0, 0, 0] : f32 from vector<1x1x1xf32>
        %get3A_140 = arith.constant 10 : index
        %get3A_141 = arith.constant 0 : index
        %get3A_142 = vector.load %arg8[%get3A_140, %get3A_141] : memref<16x128xf32, #tpu.memory_space<vmem>>, vector<1x128xf32>
        %reduce_sum3A_143 = vector.shape_cast %get3A_142 : vector<1x128xf32> to vector<1x1x128xf32>
        %reduce_sum3A_144 = arith.constant dense<0.000000e+00> : vector<1xf32>
        %reduce_sum3A_145 = vector.multi_reduction <add>, %reduce_sum3A_143, %reduce_sum3A_144 [1, 2] : vector<1x1x128xf32> to vector<1xf32>
        %reduce_sum3A_146 = vector.shape_cast %reduce_sum3A_145 : vector<1xf32> to vector<1x1x1xf32>
        %reduce_sum3A_147 = vector.extract %reduce_sum3A_146[0, 0, 0] : f32 from vector<1x1x1xf32>
        %get3A_148 = arith.constant 11 : index
        %get3A_149 = arith.constant 0 : index
        %get3A_150 = vector.load %arg8[%get3A_148, %get3A_149] : memref<16x128xf32, #tpu.memory_space<vmem>>, vector<1x128xf32>
        %reduce_sum3A_151 = vector.shape_cast %get3A_150 : vector<1x128xf32> to vector<1x1x128xf32>
        %reduce_sum3A_152 = arith.constant dense<0.000000e+00> : vector<1xf32>
        %reduce_sum3A_153 = vector.multi_reduction <add>, %reduce_sum3A_151, %reduce_sum3A_152 [1, 2] : vector<1x1x128xf32> to vector<1xf32>
        %reduce_sum3A_154 = vector.shape_cast %reduce_sum3A_153 : vector<1xf32> to vector<1x1x1xf32>
        %reduce_sum3A_155 = vector.extract %reduce_sum3A_154[0, 0, 0] : f32 from vector<1x1x1xf32>
        %get3A_156 = arith.constant 12 : index
        %get3A_157 = arith.constant 0 : index
        %get3A_158 = vector.load %arg8[%get3A_156, %get3A_157] : memref<16x128xf32, #tpu.memory_space<vmem>>, vector<1x128xf32>
        %reduce_sum3A_159 = vector.shape_cast %get3A_158 : vector<1x128xf32> to vector<1x1x128xf32>
        %reduce_sum3A_160 = arith.constant dense<0.000000e+00> : vector<1xf32>
        %reduce_sum3A_161 = vector.multi_reduction <add>, %reduce_sum3A_159, %reduce_sum3A_160 [1, 2] : vector<1x1x128xf32> to vector<1xf32>
        %reduce_sum3A_162 = vector.shape_cast %reduce_sum3A_161 : vector<1xf32> to vector<1x1x1xf32>
        %reduce_sum3A_163 = vector.extract %reduce_sum3A_162[0, 0, 0] : f32 from vector<1x1x1xf32>
        %get3A_164 = arith.constant 0 : index
        %get3A_165 = arith.constant 127 : index
        %get3A_166 = vector.load %arg8[%get3A_164, %get3A_165] : memref<16x128xf32, #tpu.memory_space<vmem>>, vector<1x1xf32>
        %reduce_sum3A_167 = vector.shape_cast %get3A_166 : vector<1x1xf32> to vector<1x1x1xf32>
        %reduce_sum3A_168 = arith.constant dense<0.000000e+00> : vector<1xf32>
        %reduce_sum3A_169 = vector.multi_reduction <add>, %reduce_sum3A_167, %reduce_sum3A_168 [1, 2] : vector<1x1x1xf32> to vector<1xf32>
        %reduce_sum3A_170 = vector.shape_cast %reduce_sum3A_169 : vector<1xf32> to vector<1x1x1xf32>
        %reduce_sum3A_171 = vector.extract %reduce_sum3A_170[0, 0, 0] : f32 from vector<1x1x1xf32>
        %sub3A_172 = arith.subf %reduce_sum3A_67, %reduce_sum3A_171 : f32
        %get3A_173 = arith.constant 0 : index
        %get3A_174 = arith.constant 0 : index
        %get3A_175 = vector.load %arg8[%get3A_173, %get3A_174] : memref<16x128xf32, #tpu.memory_space<vmem>>, vector<1x1xf32>
        %reduce_sum3A_176 = vector.shape_cast %get3A_175 : vector<1x1xf32> to vector<1x1x1xf32>
        %reduce_sum3A_177 = arith.constant dense<0.000000e+00> : vector<1xf32>
        %reduce_sum3A_178 = vector.multi_reduction <add>, %reduce_sum3A_176, %reduce_sum3A_177 [1, 2] : vector<1x1x1xf32> to vector<1xf32>
        %reduce_sum3A_179 = vector.shape_cast %reduce_sum3A_178 : vector<1xf32> to vector<1x1x1xf32>
        %reduce_sum3A_180 = vector.extract %reduce_sum3A_179[0, 0, 0] : f32 from vector<1x1x1xf32>
        %sub3A_181 = arith.subf %reduce_sum3A_67, %reduce_sum3A_180 : f32
        %get3A_182 = arith.constant 1 : index
        %get3A_183 = arith.constant 127 : index
        %get3A_184 = vector.load %arg8[%get3A_182, %get3A_183] : memref<16x128xf32, #tpu.memory_space<vmem>>, vector<1x1xf32>
        %reduce_sum3A_185 = vector.shape_cast %get3A_184 : vector<1x1xf32> to vector<1x1x1xf32>
        %reduce_sum3A_186 = arith.constant dense<0.000000e+00> : vector<1xf32>
        %reduce_sum3A_187 = vector.multi_reduction <add>, %reduce_sum3A_185, %reduce_sum3A_186 [1, 2] : vector<1x1x1xf32> to vector<1xf32>
        %reduce_sum3A_188 = vector.shape_cast %reduce_sum3A_187 : vector<1xf32> to vector<1x1x1xf32>
        %reduce_sum3A_189 = vector.extract %reduce_sum3A_188[0, 0, 0] : f32 from vector<1x1x1xf32>
        %sub3A_190 = arith.subf %reduce_sum3A_75, %reduce_sum3A_189 : f32
        %get3A_191 = arith.constant 1 : index
        %get3A_192 = arith.constant 0 : index
        %get3A_193 = vector.load %arg8[%get3A_191, %get3A_192] : memref<16x128xf32, #tpu.memory_space<vmem>>, vector<1x1xf32>
        %reduce_sum3A_194 = vector.shape_cast %get3A_193 : vector<1x1xf32> to vector<1x1x1xf32>
        %reduce_sum3A_195 = arith.constant dense<0.000000e+00> : vector<1xf32>
        %reduce_sum3A_196 = vector.multi_reduction <add>, %reduce_sum3A_194, %reduce_sum3A_195 [1, 2] : vector<1x1x1xf32> to vector<1xf32>
        %reduce_sum3A_197 = vector.shape_cast %reduce_sum3A_196 : vector<1xf32> to vector<1x1x1xf32>
        %reduce_sum3A_198 = vector.extract %reduce_sum3A_197[0, 0, 0] : f32 from vector<1x1x1xf32>
        %sub3A_199 = arith.subf %reduce_sum3A_75, %reduce_sum3A_198 : f32
        %get3A_200 = arith.constant 2 : index
        %get3A_201 = arith.constant 127 : index
        %get3A_202 = vector.load %arg8[%get3A_200, %get3A_201] : memref<16x128xf32, #tpu.memory_space<vmem>>, vector<1x1xf32>
        %reduce_sum3A_203 = vector.shape_cast %get3A_202 : vector<1x1xf32> to vector<1x1x1xf32>
        %reduce_sum3A_204 = arith.constant dense<0.000000e+00> : vector<1xf32>
        %reduce_sum3A_205 = vector.multi_reduction <add>, %reduce_sum3A_203, %reduce_sum3A_204 [1, 2] : vector<1x1x1xf32> to vector<1xf32>
        %reduce_sum3A_206 = vector.shape_cast %reduce_sum3A_205 : vector<1xf32> to vector<1x1x1xf32>
        %reduce_sum3A_207 = vector.extract %reduce_sum3A_206[0, 0, 0] : f32 from vector<1x1x1xf32>
        %sub3A_208 = arith.subf %reduce_sum3A_83, %reduce_sum3A_207 : f32
        %get3A_209 = arith.constant 3 : index
        %get3A_210 = arith.constant 127 : index
        %get3A_211 = vector.load %arg8[%get3A_209, %get3A_210] : memref<16x128xf32, #tpu.memory_space<vmem>>, vector<1x1xf32>
        %reduce_sum3A_212 = vector.shape_cast %get3A_211 : vector<1x1xf32> to vector<1x1x1xf32>
        %reduce_sum3A_213 = arith.constant dense<0.000000e+00> : vector<1xf32>
        %reduce_sum3A_214 = vector.multi_reduction <add>, %reduce_sum3A_212, %reduce_sum3A_213 [1, 2] : vector<1x1x1xf32> to vector<1xf32>
        %reduce_sum3A_215 = vector.shape_cast %reduce_sum3A_214 : vector<1xf32> to vector<1x1x1xf32>
        %reduce_sum3A_216 = vector.extract %reduce_sum3A_215[0, 0, 0] : f32 from vector<1x1x1xf32>
        %sub3A_217 = arith.subf %reduce_sum3A_91, %reduce_sum3A_216 : f32
        %get3A_218 = arith.constant 2 : index
        %get3A_219 = arith.constant 0 : index
        %get3A_220 = vector.load %arg8[%get3A_218, %get3A_219] : memref<16x128xf32, #tpu.memory_space<vmem>>, vector<1x1xf32>
        %reduce_sum3A_221 = vector.shape_cast %get3A_220 : vector<1x1xf32> to vector<1x1x1xf32>
        %reduce_sum3A_222 = arith.constant dense<0.000000e+00> : vector<1xf32>
        %reduce_sum3A_223 = vector.multi_reduction <add>, %reduce_sum3A_221, %reduce_sum3A_222 [1, 2] : vector<1x1x1xf32> to vector<1xf32>
        %reduce_sum3A_224 = vector.shape_cast %reduce_sum3A_223 : vector<1xf32> to vector<1x1x1xf32>
        %reduce_sum3A_225 = vector.extract %reduce_sum3A_224[0, 0, 0] : f32 from vector<1x1x1xf32>
        %sub3A_226 = arith.subf %reduce_sum3A_83, %reduce_sum3A_225 : f32
        %get3A_227 = arith.constant 3 : index
        %get3A_228 = arith.constant 0 : index
        %get3A_229 = vector.load %arg8[%get3A_227, %get3A_228] : memref<16x128xf32, #tpu.memory_space<vmem>>, vector<1x1xf32>
        %reduce_sum3A_230 = vector.shape_cast %get3A_229 : vector<1x1xf32> to vector<1x1x1xf32>
        %reduce_sum3A_231 = arith.constant dense<0.000000e+00> : vector<1xf32>
        %reduce_sum3A_232 = vector.multi_reduction <add>, %reduce_sum3A_230, %reduce_sum3A_231 [1, 2] : vector<1x1x1xf32> to vector<1xf32>
        %reduce_sum3A_233 = vector.shape_cast %reduce_sum3A_232 : vector<1xf32> to vector<1x1x1xf32>
        %reduce_sum3A_234 = vector.extract %reduce_sum3A_233[0, 0, 0] : f32 from vector<1x1x1xf32>
        %sub3A_235 = arith.subf %reduce_sum3A_91, %reduce_sum3A_234 : f32
        %get3A_236 = arith.constant 4 : index
        %get3A_237 = arith.constant 127 : index
        %get3A_238 = vector.load %arg8[%get3A_236, %get3A_237] : memref<16x128xf32, #tpu.memory_space<vmem>>, vector<1x1xf32>
        %reduce_sum3A_239 = vector.shape_cast %get3A_238 : vector<1x1xf32> to vector<1x1x1xf32>
        %reduce_sum3A_240 = arith.constant dense<0.000000e+00> : vector<1xf32>
        %reduce_sum3A_241 = vector.multi_reduction <add>, %reduce_sum3A_239, %reduce_sum3A_240 [1, 2] : vector<1x1x1xf32> to vector<1xf32>
        %reduce_sum3A_242 = vector.shape_cast %reduce_sum3A_241 : vector<1xf32> to vector<1x1x1xf32>
        %reduce_sum3A_243 = vector.extract %reduce_sum3A_242[0, 0, 0] : f32 from vector<1x1x1xf32>
        %sub3A_244 = arith.subf %reduce_sum3A_99, %reduce_sum3A_243 : f32
        %get3A_245 = arith.constant 4 : index
        %get3A_246 = arith.constant 0 : index
        %get3A_247 = vector.load %arg8[%get3A_245, %get3A_246] : memref<16x128xf32, #tpu.memory_space<vmem>>, vector<1x1xf32>
        %reduce_sum3A_248 = vector.shape_cast %get3A_247 : vector<1x1xf32> to vector<1x1x1xf32>
        %reduce_sum3A_249 = arith.constant dense<0.000000e+00> : vector<1xf32>
        %reduce_sum3A_250 = vector.multi_reduction <add>, %reduce_sum3A_248, %reduce_sum3A_249 [1, 2] : vector<1x1x1xf32> to vector<1xf32>
        %reduce_sum3A_251 = vector.shape_cast %reduce_sum3A_250 : vector<1xf32> to vector<1x1x1xf32>
        %reduce_sum3A_252 = vector.extract %reduce_sum3A_251[0, 0, 0] : f32 from vector<1x1x1xf32>
        %sub3A_253 = arith.subf %reduce_sum3A_99, %reduce_sum3A_252 : f32
        %iota3A = tpu.iota {dimensions = array<i32: 1>} : vector<1x6400xi32>
        %jit3A = arith.constant 128 : i32
        %div3A = vector.broadcast %jit3A : i32 to vector<1x6400xi32>
        %div3A_254 = arith.divsi %iota3A, %div3A : vector<1x6400xi32>
        %sign3A = arith.constant 0 : i32
        %sign3A_255 = vector.broadcast %sign3A : i32 to vector<1x6400xi32>
        %sign3A_256 = arith.cmpi sgt, %iota3A, %sign3A_255 : vector<1x6400xi32>
        %sign3A_257 = arith.extui %sign3A_256 : vector<1x6400xi1> to vector<1x6400xi32>
        %sign3A_258 = arith.constant 0 : i32
        %sign3A_259 = vector.broadcast %sign3A_258 : i32 to vector<1x6400xi32>
        %sign3A_260 = arith.cmpi slt, %iota3A, %sign3A_259 : vector<1x6400xi32>
        %sign3A_261 = arith.extui %sign3A_260 : vector<1x6400xi1> to vector<1x6400xi32>
        %sign3A_262 = arith.subi %sign3A_257, %sign3A_261 : vector<1x6400xi32>
        %sign3A_263 = arith.constant 0 : i32
        %sign3A_264 = arith.cmpi sgt, %jit3A, %sign3A_263 : i32
        %sign3A_265 = arith.extui %sign3A_264 : i1 to i32
        %sign3A_266 = arith.constant 0 : i32
        %sign3A_267 = arith.cmpi slt, %jit3A, %sign3A_266 : i32
        %sign3A_268 = arith.extui %sign3A_267 : i1 to i32
        %sign3A_269 = arith.subi %sign3A_265, %sign3A_268 : i32
        %ne3A = vector.broadcast %sign3A_269 : i32 to vector<1x6400xi32>
        %ne3A_270 = arith.cmpi ne, %sign3A_262, %ne3A : vector<1x6400xi32>
        %rem3A = vector.broadcast %jit3A : i32 to vector<1x6400xi32>
        %rem3A_271 = arith.remsi %iota3A, %rem3A : vector<1x6400xi32>
        %ne3A_272 = arith.constant 0 : i32
        %ne3A_273 = vector.broadcast %ne3A_272 : i32 to vector<1x6400xi32>
        %ne3A_274 = arith.cmpi ne, %rem3A_271, %ne3A_273 : vector<1x6400xi32>
        %and3A = arith.andi %ne3A_270, %ne3A_274 : vector<1x6400xi1>
        %sub3A_275 = arith.constant 1 : i32
        %sub3A_276 = vector.broadcast %sub3A_275 : i32 to vector<1x6400xi32>
        %sub3A_277 = arith.subi %div3A_254, %sub3A_276 : vector<1x6400xi32>
        %select_n3A = arith.select %and3A, %sub3A_277, %div3A_254 : vector<1x6400xi1>, vector<1x6400xi32>
        %broadcast_in_dim3A_278 = arith.constant 0.000000e+00 : f32
        %broadcast_in_dim3A_279 = vector.broadcast %broadcast_in_dim3A_278 : f32 to vector<1x6400xf32>
        %broadcast_in_dim3A_280 = arith.constant 0.000000e+00 : f32
        %broadcast_in_dim3A_281 = vector.broadcast %broadcast_in_dim3A_280 : f32 to vector<1x6400xf32>
        %scan3A = arith.constant 0 : i32
        %scan3A_282 = arith.constant 50 : i32
        %scan3A_283 = arith.addi %scan3A, %scan3A_282 : i32
        %scan3A_284 = arith.constant 1 : i32
        %scan3A_285:2 = scf.for %scan3A_304 = %scan3A to %scan3A_283 step %scan3A_284 iter_args(%scan3A_305 = %broadcast_in_dim3A_279, %scan3A_306 = %broadcast_in_dim3A_281) -> (vector<1x6400xf32>, vector<1x6400xf32>)  : i32 {
          %mul3A_307 = arith.constant 6 : i32
          %mul3A_308 = arith.muli %scan3A_304, %mul3A_307 : i32
          %add3A_309 = arith.constant 0 : i32
          %add3A_310 = arith.addi %mul3A_308, %add3A_309 : i32
          %get3A_311 = arith.index_cast %add3A_310 : i32 to index
          %get3A_312 = memref.load %arg2[%get3A_311] : memref<300xf32, #tpu.memory_space<smem>>
          %mul3A_313 = arith.mulf %get3A_312, %sub3A_172 : f32
          %add3A_314 = arith.constant 0.000000e+00 : f32
          %add3A_315 = arith.addf %add3A_314, %mul3A_313 : f32
          %mul3A_316 = arith.constant 6 : i32
          %mul3A_317 = arith.muli %scan3A_304, %mul3A_316 : i32
          %add3A_318 = arith.constant 1 : i32
          %add3A_319 = arith.addi %mul3A_317, %add3A_318 : i32
          %get3A_320 = arith.index_cast %add3A_319 : i32 to index
          %get3A_321 = memref.load %arg2[%get3A_320] : memref<300xf32, #tpu.memory_space<smem>>
          %mul3A_322 = arith.mulf %get3A_321, %reduce_sum3A_67 : f32
          %add3A_323 = arith.addf %add3A_315, %mul3A_322 : f32
          %mul3A_324 = arith.constant 6 : i32
          %mul3A_325 = arith.muli %scan3A_304, %mul3A_324 : i32
          %add3A_326 = arith.constant 2 : i32
          %add3A_327 = arith.addi %mul3A_325, %add3A_326 : i32
          %get3A_328 = arith.index_cast %add3A_327 : i32 to index
          %get3A_329 = memref.load %arg2[%get3A_328] : memref<300xf32, #tpu.memory_space<smem>>
          %mul3A_330 = arith.mulf %get3A_329, %sub3A_181 : f32
          %add3A_331 = arith.addf %add3A_323, %mul3A_330 : f32
          %mul3A_332 = arith.constant 6 : i32
          %mul3A_333 = arith.muli %scan3A_304, %mul3A_332 : i32
          %add3A_334 = arith.constant 3 : i32
          %add3A_335 = arith.addi %mul3A_333, %add3A_334 : i32
          %get3A_336 = arith.index_cast %add3A_335 : i32 to index
          %get3A_337 = memref.load %arg2[%get3A_336] : memref<300xf32, #tpu.memory_space<smem>>
          %mul3A_338 = arith.mulf %get3A_337, %sub3A_190 : f32
          %add3A_339 = arith.addf %add3A_331, %mul3A_338 : f32
          %mul3A_340 = arith.constant 6 : i32
          %mul3A_341 = arith.muli %scan3A_304, %mul3A_340 : i32
          %add3A_342 = arith.constant 4 : i32
          %add3A_343 = arith.addi %mul3A_341, %add3A_342 : i32
          %get3A_344 = arith.index_cast %add3A_343 : i32 to index
          %get3A_345 = memref.load %arg2[%get3A_344] : memref<300xf32, #tpu.memory_space<smem>>
          %mul3A_346 = arith.mulf %get3A_345, %reduce_sum3A_75 : f32
          %add3A_347 = arith.addf %add3A_339, %mul3A_346 : f32
          %mul3A_348 = arith.constant 6 : i32
          %mul3A_349 = arith.muli %scan3A_304, %mul3A_348 : i32
          %add3A_350 = arith.constant 5 : i32
          %add3A_351 = arith.addi %mul3A_349, %add3A_350 : i32
          %get3A_352 = arith.index_cast %add3A_351 : i32 to index
          %get3A_353 = memref.load %arg2[%get3A_352] : memref<300xf32, #tpu.memory_space<smem>>
          %mul3A_354 = arith.mulf %get3A_353, %sub3A_199 : f32
          %add3A_355 = arith.addf %add3A_347, %mul3A_354 : f32
          %div3A_356 = arith.constant 0x49800000 : f32
          %div3A_357 = arith.divf %add3A_355, %div3A_356 : f32
          %mul3A_358 = arith.constant 6 : i32
          %mul3A_359 = arith.muli %scan3A_304, %mul3A_358 : i32
          %add3A_360 = arith.constant 0 : i32
          %add3A_361 = arith.addi %mul3A_359, %add3A_360 : i32
          %get3A_362 = arith.index_cast %add3A_361 : i32 to index
          %get3A_363 = memref.load %arg2[%get3A_362] : memref<300xf32, #tpu.memory_space<smem>>
          %mul3A_364 = arith.constant 1.000000e+00 : f32
          %mul3A_365 = arith.mulf %mul3A_364, %get3A_363 : f32
          %mul3A_366 = arith.constant 6 : i32
          %mul3A_367 = arith.muli %scan3A_304, %mul3A_366 : i32
          %add3A_368 = arith.constant 0 : i32
          %add3A_369 = arith.addi %mul3A_367, %add3A_368 : i32
          %get3A_370 = arith.index_cast %add3A_369 : i32 to index
          %get3A_371 = memref.load %arg2[%get3A_370] : memref<300xf32, #tpu.memory_space<smem>>
          %mul3A_372 = arith.mulf %mul3A_365, %get3A_371 : f32
          %mul3A_373 = arith.mulf %mul3A_372, %sub3A_208 : f32
          %add3A_374 = arith.constant 0.000000e+00 : f32
          %add3A_375 = arith.addf %add3A_374, %mul3A_373 : f32
          %mul3A_376 = arith.constant 6 : i32
          %mul3A_377 = arith.muli %scan3A_304, %mul3A_376 : i32
          %add3A_378 = arith.constant 0 : i32
          %add3A_379 = arith.addi %mul3A_377, %add3A_378 : i32
          %get3A_380 = arith.index_cast %add3A_379 : i32 to index
          %get3A_381 = memref.load %arg2[%get3A_380] : memref<300xf32, #tpu.memory_space<smem>>
          %mul3A_382 = arith.constant 2.000000e+00 : f32
          %mul3A_383 = arith.mulf %mul3A_382, %get3A_381 : f32
          %mul3A_384 = arith.constant 6 : i32
          %mul3A_385 = arith.muli %scan3A_304, %mul3A_384 : i32
          %add3A_386 = arith.constant 1 : i32
          %add3A_387 = arith.addi %mul3A_385, %add3A_386 : i32
          %get3A_388 = arith.index_cast %add3A_387 : i32 to index
          %get3A_389 = memref.load %arg2[%get3A_388] : memref<300xf32, #tpu.memory_space<smem>>
          %mul3A_390 = arith.mulf %mul3A_383, %get3A_389 : f32
          %mul3A_391 = arith.mulf %mul3A_390, %reduce_sum3A_107 : f32
          %add3A_392 = arith.addf %add3A_375, %mul3A_391 : f32
          %mul3A_393 = arith.constant 6 : i32
          %mul3A_394 = arith.muli %scan3A_304, %mul3A_393 : i32
          %add3A_395 = arith.constant 0 : i32
          %add3A_396 = arith.addi %mul3A_394, %add3A_395 : i32
          %get3A_397 = arith.index_cast %add3A_396 : i32 to index
          %get3A_398 = memref.load %arg2[%get3A_397] : memref<300xf32, #tpu.memory_space<smem>>
          %mul3A_399 = arith.constant 2.000000e+00 : f32
          %mul3A_400 = arith.mulf %mul3A_399, %get3A_398 : f32
          %mul3A_401 = arith.constant 6 : i32
          %mul3A_402 = arith.muli %scan3A_304, %mul3A_401 : i32
          %add3A_403 = arith.constant 2 : i32
          %add3A_404 = arith.addi %mul3A_402, %add3A_403 : i32
          %get3A_405 = arith.index_cast %add3A_404 : i32 to index
          %get3A_406 = memref.load %arg2[%get3A_405] : memref<300xf32, #tpu.memory_space<smem>>
          %mul3A_407 = arith.mulf %mul3A_400, %get3A_406 : f32
          %mul3A_408 = arith.mulf %mul3A_407, %reduce_sum3A_139 : f32
          %add3A_409 = arith.addf %add3A_392, %mul3A_408 : f32
          %mul3A_410 = arith.constant 6 : i32
          %mul3A_411 = arith.muli %scan3A_304, %mul3A_410 : i32
          %add3A_412 = arith.constant 0 : i32
          %add3A_413 = arith.addi %mul3A_411, %add3A_412 : i32
          %get3A_414 = arith.index_cast %add3A_413 : i32 to index
          %get3A_415 = memref.load %arg2[%get3A_414] : memref<300xf32, #tpu.memory_space<smem>>
          %mul3A_416 = arith.constant 2.000000e+00 : f32
          %mul3A_417 = arith.mulf %mul3A_416, %get3A_415 : f32
          %mul3A_418 = arith.constant 6 : i32
          %mul3A_419 = arith.muli %scan3A_304, %mul3A_418 : i32
          %add3A_420 = arith.constant 3 : i32
          %add3A_421 = arith.addi %mul3A_419, %add3A_420 : i32
          %get3A_422 = arith.index_cast %add3A_421 : i32 to index
          %get3A_423 = memref.load %arg2[%get3A_422] : memref<300xf32, #tpu.memory_space<smem>>
          %mul3A_424 = arith.mulf %mul3A_417, %get3A_423 : f32
          %mul3A_425 = arith.mulf %mul3A_424, %sub3A_217 : f32
          %add3A_426 = arith.addf %add3A_409, %mul3A_425 : f32
          %mul3A_427 = arith.constant 6 : i32
          %mul3A_428 = arith.muli %scan3A_304, %mul3A_427 : i32
          %add3A_429 = arith.constant 0 : i32
          %add3A_430 = arith.addi %mul3A_428, %add3A_429 : i32
          %get3A_431 = arith.index_cast %add3A_430 : i32 to index
          %get3A_432 = memref.load %arg2[%get3A_431] : memref<300xf32, #tpu.memory_space<smem>>
          %mul3A_433 = arith.constant 2.000000e+00 : f32
          %mul3A_434 = arith.mulf %mul3A_433, %get3A_432 : f32
          %mul3A_435 = arith.constant 6 : i32
          %mul3A_436 = arith.muli %scan3A_304, %mul3A_435 : i32
          %add3A_437 = arith.constant 4 : i32
          %add3A_438 = arith.addi %mul3A_436, %add3A_437 : i32
          %get3A_439 = arith.index_cast %add3A_438 : i32 to index
          %get3A_440 = memref.load %arg2[%get3A_439] : memref<300xf32, #tpu.memory_space<smem>>
          %mul3A_441 = arith.mulf %mul3A_434, %get3A_440 : f32
          %mul3A_442 = arith.mulf %mul3A_441, %reduce_sum3A_115 : f32
          %add3A_443 = arith.addf %add3A_426, %mul3A_442 : f32
          %mul3A_444 = arith.constant 6 : i32
          %mul3A_445 = arith.muli %scan3A_304, %mul3A_444 : i32
          %add3A_446 = arith.constant 0 : i32
          %add3A_447 = arith.addi %mul3A_445, %add3A_446 : i32
          %get3A_448 = arith.index_cast %add3A_447 : i32 to index
          %get3A_449 = memref.load %arg2[%get3A_448] : memref<300xf32, #tpu.memory_space<smem>>
          %mul3A_450 = arith.constant 2.000000e+00 : f32
          %mul3A_451 = arith.mulf %mul3A_450, %get3A_449 : f32
          %mul3A_452 = arith.constant 6 : i32
          %mul3A_453 = arith.muli %scan3A_304, %mul3A_452 : i32
          %add3A_454 = arith.constant 5 : i32
          %add3A_455 = arith.addi %mul3A_453, %add3A_454 : i32
          %get3A_456 = arith.index_cast %add3A_455 : i32 to index
          %get3A_457 = memref.load %arg2[%get3A_456] : memref<300xf32, #tpu.memory_space<smem>>
          %mul3A_458 = arith.mulf %mul3A_451, %get3A_457 : f32
          %mul3A_459 = arith.mulf %mul3A_458, %reduce_sum3A_147 : f32
          %add3A_460 = arith.addf %add3A_443, %mul3A_459 : f32
          %mul3A_461 = arith.constant 6 : i32
          %mul3A_462 = arith.muli %scan3A_304, %mul3A_461 : i32
          %add3A_463 = arith.constant 1 : i32
          %add3A_464 = arith.addi %mul3A_462, %add3A_463 : i32
          %get3A_465 = arith.index_cast %add3A_464 : i32 to index
          %get3A_466 = memref.load %arg2[%get3A_465] : memref<300xf32, #tpu.memory_space<smem>>
          %mul3A_467 = arith.constant 1.000000e+00 : f32
          %mul3A_468 = arith.mulf %mul3A_467, %get3A_466 : f32
          %mul3A_469 = arith.constant 6 : i32
          %mul3A_470 = arith.muli %scan3A_304, %mul3A_469 : i32
          %add3A_471 = arith.constant 1 : i32
          %add3A_472 = arith.addi %mul3A_470, %add3A_471 : i32
          %get3A_473 = arith.index_cast %add3A_472 : i32 to index
          %get3A_474 = memref.load %arg2[%get3A_473] : memref<300xf32, #tpu.memory_space<smem>>
          %mul3A_475 = arith.mulf %mul3A_468, %get3A_474 : f32
          %mul3A_476 = arith.mulf %mul3A_475, %reduce_sum3A_83 : f32
          %add3A_477 = arith.addf %add3A_460, %mul3A_476 : f32
          %mul3A_478 = arith.constant 6 : i32
          %mul3A_479 = arith.muli %scan3A_304, %mul3A_478 : i32
          %add3A_480 = arith.constant 1 : i32
          %add3A_481 = arith.addi %mul3A_479, %add3A_480 : i32
          %get3A_482 = arith.index_cast %add3A_481 : i32 to index
          %get3A_483 = memref.load %arg2[%get3A_482] : memref<300xf32, #tpu.memory_space<smem>>
          %mul3A_484 = arith.constant 2.000000e+00 : f32
          %mul3A_485 = arith.mulf %mul3A_484, %get3A_483 : f32
          %mul3A_486 = arith.constant 6 : i32
          %mul3A_487 = arith.muli %scan3A_304, %mul3A_486 : i32
          %add3A_488 = arith.constant 2 : i32
          %add3A_489 = arith.addi %mul3A_487, %add3A_488 : i32
          %get3A_490 = arith.index_cast %add3A_489 : i32 to index
          %get3A_491 = memref.load %arg2[%get3A_490] : memref<300xf32, #tpu.memory_space<smem>>
          %mul3A_492 = arith.mulf %mul3A_485, %get3A_491 : f32
          %mul3A_493 = arith.mulf %mul3A_492, %reduce_sum3A_107 : f32
          %add3A_494 = arith.addf %add3A_477, %mul3A_493 : f32
          %mul3A_495 = arith.constant 6 : i32
          %mul3A_496 = arith.muli %scan3A_304, %mul3A_495 : i32
          %add3A_497 = arith.constant 1 : i32
          %add3A_498 = arith.addi %mul3A_496, %add3A_497 : i32
          %get3A_499 = arith.index_cast %add3A_498 : i32 to index
          %get3A_500 = memref.load %arg2[%get3A_499] : memref<300xf32, #tpu.memory_space<smem>>
          %mul3A_501 = arith.constant 2.000000e+00 : f32
          %mul3A_502 = arith.mulf %mul3A_501, %get3A_500 : f32
          %mul3A_503 = arith.constant 6 : i32
          %mul3A_504 = arith.muli %scan3A_304, %mul3A_503 : i32
          %add3A_505 = arith.constant 3 : i32
          %add3A_506 = arith.addi %mul3A_504, %add3A_505 : i32
          %get3A_507 = arith.index_cast %add3A_506 : i32 to index
          %get3A_508 = memref.load %arg2[%get3A_507] : memref<300xf32, #tpu.memory_space<smem>>
          %mul3A_509 = arith.mulf %mul3A_502, %get3A_508 : f32
          %mul3A_510 = arith.mulf %mul3A_509, %reduce_sum3A_123 : f32
          %add3A_511 = arith.addf %add3A_494, %mul3A_510 : f32
          %mul3A_512 = arith.constant 6 : i32
          %mul3A_513 = arith.muli %scan3A_304, %mul3A_512 : i32
          %add3A_514 = arith.constant 1 : i32
          %add3A_515 = arith.addi %mul3A_513, %add3A_514 : i32
          %get3A_516 = arith.index_cast %add3A_515 : i32 to index
          %get3A_517 = memref.load %arg2[%get3A_516] : memref<300xf32, #tpu.memory_space<smem>>
          %mul3A_518 = arith.constant 2.000000e+00 : f32
          %mul3A_519 = arith.mulf %mul3A_518, %get3A_517 : f32
          %mul3A_520 = arith.constant 6 : i32
          %mul3A_521 = arith.muli %scan3A_304, %mul3A_520 : i32
          %add3A_522 = arith.constant 4 : i32
          %add3A_523 = arith.addi %mul3A_521, %add3A_522 : i32
          %get3A_524 = arith.index_cast %add3A_523 : i32 to index
          %get3A_525 = memref.load %arg2[%get3A_524] : memref<300xf32, #tpu.memory_space<smem>>
          %mul3A_526 = arith.mulf %mul3A_519, %get3A_525 : f32
          %mul3A_527 = arith.mulf %mul3A_526, %reduce_sum3A_91 : f32
          %add3A_528 = arith.addf %add3A_511, %mul3A_527 : f32
          %mul3A_529 = arith.constant 6 : i32
          %mul3A_530 = arith.muli %scan3A_304, %mul3A_529 : i32
          %add3A_531 = arith.constant 1 : i32
          %add3A_532 = arith.addi %mul3A_530, %add3A_531 : i32
          %get3A_533 = arith.index_cast %add3A_532 : i32 to index
          %get3A_534 = memref.load %arg2[%get3A_533] : memref<300xf32, #tpu.memory_space<smem>>
          %mul3A_535 = arith.constant 2.000000e+00 : f32
          %mul3A_536 = arith.mulf %mul3A_535, %get3A_534 : f32
          %mul3A_537 = arith.constant 6 : i32
          %mul3A_538 = arith.muli %scan3A_304, %mul3A_537 : i32
          %add3A_539 = arith.constant 5 : i32
          %add3A_540 = arith.addi %mul3A_538, %add3A_539 : i32
          %get3A_541 = arith.index_cast %add3A_540 : i32 to index
          %get3A_542 = memref.load %arg2[%get3A_541] : memref<300xf32, #tpu.memory_space<smem>>
          %mul3A_543 = arith.mulf %mul3A_536, %get3A_542 : f32
          %mul3A_544 = arith.mulf %mul3A_543, %reduce_sum3A_115 : f32
          %add3A_545 = arith.addf %add3A_528, %mul3A_544 : f32
          %mul3A_546 = arith.constant 6 : i32
          %mul3A_547 = arith.muli %scan3A_304, %mul3A_546 : i32
          %add3A_548 = arith.constant 2 : i32
          %add3A_549 = arith.addi %mul3A_547, %add3A_548 : i32
          %get3A_550 = arith.index_cast %add3A_549 : i32 to index
          %get3A_551 = memref.load %arg2[%get3A_550] : memref<300xf32, #tpu.memory_space<smem>>
          %mul3A_552 = arith.constant 1.000000e+00 : f32
          %mul3A_553 = arith.mulf %mul3A_552, %get3A_551 : f32
          %mul3A_554 = arith.constant 6 : i32
          %mul3A_555 = arith.muli %scan3A_304, %mul3A_554 : i32
          %add3A_556 = arith.constant 2 : i32
          %add3A_557 = arith.addi %mul3A_555, %add3A_556 : i32
          %get3A_558 = arith.index_cast %add3A_557 : i32 to index
          %get3A_559 = memref.load %arg2[%get3A_558] : memref<300xf32, #tpu.memory_space<smem>>
          %mul3A_560 = arith.mulf %mul3A_553, %get3A_559 : f32
          %mul3A_561 = arith.mulf %mul3A_560, %sub3A_226 : f32
          %add3A_562 = arith.addf %add3A_545, %mul3A_561 : f32
          %mul3A_563 = arith.constant 6 : i32
          %mul3A_564 = arith.muli %scan3A_304, %mul3A_563 : i32
          %add3A_565 = arith.constant 2 : i32
          %add3A_566 = arith.addi %mul3A_564, %add3A_565 : i32
          %get3A_567 = arith.index_cast %add3A_566 : i32 to index
          %get3A_568 = memref.load %arg2[%get3A_567] : memref<300xf32, #tpu.memory_space<smem>>
          %mul3A_569 = arith.constant 2.000000e+00 : f32
          %mul3A_570 = arith.mulf %mul3A_569, %get3A_568 : f32
          %mul3A_571 = arith.constant 6 : i32
          %mul3A_572 = arith.muli %scan3A_304, %mul3A_571 : i32
          %add3A_573 = arith.constant 3 : i32
          %add3A_574 = arith.addi %mul3A_572, %add3A_573 : i32
          %get3A_575 = arith.index_cast %add3A_574 : i32 to index
          %get3A_576 = memref.load %arg2[%get3A_575] : memref<300xf32, #tpu.memory_space<smem>>
          %mul3A_577 = arith.mulf %mul3A_570, %get3A_576 : f32
          %mul3A_578 = arith.mulf %mul3A_577, %reduce_sum3A_155 : f32
          %add3A_579 = arith.addf %add3A_562, %mul3A_578 : f32
          %mul3A_580 = arith.constant 6 : i32
          %mul3A_581 = arith.muli %scan3A_304, %mul3A_580 : i32
          %add3A_582 = arith.constant 2 : i32
          %add3A_583 = arith.addi %mul3A_581, %add3A_582 : i32
          %get3A_584 = arith.index_cast %add3A_583 : i32 to index
          %get3A_585 = memref.load %arg2[%get3A_584] : memref<300xf32, #tpu.memory_space<smem>>
          %mul3A_586 = arith.constant 2.000000e+00 : f32
          %mul3A_587 = arith.mulf %mul3A_586, %get3A_585 : f32
          %mul3A_588 = arith.constant 6 : i32
          %mul3A_589 = arith.muli %scan3A_304, %mul3A_588 : i32
          %add3A_590 = arith.constant 4 : i32
          %add3A_591 = arith.addi %mul3A_589, %add3A_590 : i32
          %get3A_592 = arith.index_cast %add3A_591 : i32 to index
          %get3A_593 = memref.load %arg2[%get3A_592] : memref<300xf32, #tpu.memory_space<smem>>
          %mul3A_594 = arith.mulf %mul3A_587, %get3A_593 : f32
          %mul3A_595 = arith.mulf %mul3A_594, %reduce_sum3A_123 : f32
          %add3A_596 = arith.addf %add3A_579, %mul3A_595 : f32
          %mul3A_597 = arith.constant 6 : i32
          %mul3A_598 = arith.muli %scan3A_304, %mul3A_597 : i32
          %add3A_599 = arith.constant 2 : i32
          %add3A_600 = arith.addi %mul3A_598, %add3A_599 : i32
          %get3A_601 = arith.index_cast %add3A_600 : i32 to index
          %get3A_602 = memref.load %arg2[%get3A_601] : memref<300xf32, #tpu.memory_space<smem>>
          %mul3A_603 = arith.constant 2.000000e+00 : f32
          %mul3A_604 = arith.mulf %mul3A_603, %get3A_602 : f32
          %mul3A_605 = arith.constant 6 : i32
          %mul3A_606 = arith.muli %scan3A_304, %mul3A_605 : i32
          %add3A_607 = arith.constant 5 : i32
          %add3A_608 = arith.addi %mul3A_606, %add3A_607 : i32
          %get3A_609 = arith.index_cast %add3A_608 : i32 to index
          %get3A_610 = memref.load %arg2[%get3A_609] : memref<300xf32, #tpu.memory_space<smem>>
          %mul3A_611 = arith.mulf %mul3A_604, %get3A_610 : f32
          %mul3A_612 = arith.mulf %mul3A_611, %sub3A_235 : f32
          %add3A_613 = arith.addf %add3A_596, %mul3A_612 : f32
          %mul3A_614 = arith.constant 6 : i32
          %mul3A_615 = arith.muli %scan3A_304, %mul3A_614 : i32
          %add3A_616 = arith.constant 3 : i32
          %add3A_617 = arith.addi %mul3A_615, %add3A_616 : i32
          %get3A_618 = arith.index_cast %add3A_617 : i32 to index
          %get3A_619 = memref.load %arg2[%get3A_618] : memref<300xf32, #tpu.memory_space<smem>>
          %mul3A_620 = arith.constant 1.000000e+00 : f32
          %mul3A_621 = arith.mulf %mul3A_620, %get3A_619 : f32
          %mul3A_622 = arith.constant 6 : i32
          %mul3A_623 = arith.muli %scan3A_304, %mul3A_622 : i32
          %add3A_624 = arith.constant 3 : i32
          %add3A_625 = arith.addi %mul3A_623, %add3A_624 : i32
          %get3A_626 = arith.index_cast %add3A_625 : i32 to index
          %get3A_627 = memref.load %arg2[%get3A_626] : memref<300xf32, #tpu.memory_space<smem>>
          %mul3A_628 = arith.mulf %mul3A_621, %get3A_627 : f32
          %mul3A_629 = arith.mulf %mul3A_628, %sub3A_244 : f32
          %add3A_630 = arith.addf %add3A_613, %mul3A_629 : f32
          %mul3A_631 = arith.constant 6 : i32
          %mul3A_632 = arith.muli %scan3A_304, %mul3A_631 : i32
          %add3A_633 = arith.constant 3 : i32
          %add3A_634 = arith.addi %mul3A_632, %add3A_633 : i32
          %get3A_635 = arith.index_cast %add3A_634 : i32 to index
          %get3A_636 = memref.load %arg2[%get3A_635] : memref<300xf32, #tpu.memory_space<smem>>
          %mul3A_637 = arith.constant 2.000000e+00 : f32
          %mul3A_638 = arith.mulf %mul3A_637, %get3A_636 : f32
          %mul3A_639 = arith.constant 6 : i32
          %mul3A_640 = arith.muli %scan3A_304, %mul3A_639 : i32
          %add3A_641 = arith.constant 4 : i32
          %add3A_642 = arith.addi %mul3A_640, %add3A_641 : i32
          %get3A_643 = arith.index_cast %add3A_642 : i32 to index
          %get3A_644 = memref.load %arg2[%get3A_643] : memref<300xf32, #tpu.memory_space<smem>>
          %mul3A_645 = arith.mulf %mul3A_638, %get3A_644 : f32
          %mul3A_646 = arith.mulf %mul3A_645, %reduce_sum3A_131 : f32
          %add3A_647 = arith.addf %add3A_630, %mul3A_646 : f32
          %mul3A_648 = arith.constant 6 : i32
          %mul3A_649 = arith.muli %scan3A_304, %mul3A_648 : i32
          %add3A_650 = arith.constant 3 : i32
          %add3A_651 = arith.addi %mul3A_649, %add3A_650 : i32
          %get3A_652 = arith.index_cast %add3A_651 : i32 to index
          %get3A_653 = memref.load %arg2[%get3A_652] : memref<300xf32, #tpu.memory_space<smem>>
          %mul3A_654 = arith.constant 2.000000e+00 : f32
          %mul3A_655 = arith.mulf %mul3A_654, %get3A_653 : f32
          %mul3A_656 = arith.constant 6 : i32
          %mul3A_657 = arith.muli %scan3A_304, %mul3A_656 : i32
          %add3A_658 = arith.constant 5 : i32
          %add3A_659 = arith.addi %mul3A_657, %add3A_658 : i32
          %get3A_660 = arith.index_cast %add3A_659 : i32 to index
          %get3A_661 = memref.load %arg2[%get3A_660] : memref<300xf32, #tpu.memory_space<smem>>
          %mul3A_662 = arith.mulf %mul3A_655, %get3A_661 : f32
          %mul3A_663 = arith.mulf %mul3A_662, %reduce_sum3A_163 : f32
          %add3A_664 = arith.addf %add3A_647, %mul3A_663 : f32
          %mul3A_665 = arith.constant 6 : i32
          %mul3A_666 = arith.muli %scan3A_304, %mul3A_665 : i32
          %add3A_667 = arith.constant 4 : i32
          %add3A_668 = arith.addi %mul3A_666, %add3A_667 : i32
          %get3A_669 = arith.index_cast %add3A_668 : i32 to index
          %get3A_670 = memref.load %arg2[%get3A_669] : memref<300xf32, #tpu.memory_space<smem>>
          %mul3A_671 = arith.constant 1.000000e+00 : f32
          %mul3A_672 = arith.mulf %mul3A_671, %get3A_670 : f32
          %mul3A_673 = arith.constant 6 : i32
          %mul3A_674 = arith.muli %scan3A_304, %mul3A_673 : i32
          %add3A_675 = arith.constant 4 : i32
          %add3A_676 = arith.addi %mul3A_674, %add3A_675 : i32
          %get3A_677 = arith.index_cast %add3A_676 : i32 to index
          %get3A_678 = memref.load %arg2[%get3A_677] : memref<300xf32, #tpu.memory_space<smem>>
          %mul3A_679 = arith.mulf %mul3A_672, %get3A_678 : f32
          %mul3A_680 = arith.mulf %mul3A_679, %reduce_sum3A_99 : f32
          %add3A_681 = arith.addf %add3A_664, %mul3A_680 : f32
          %mul3A_682 = arith.constant 6 : i32
          %mul3A_683 = arith.muli %scan3A_304, %mul3A_682 : i32
          %add3A_684 = arith.constant 4 : i32
          %add3A_685 = arith.addi %mul3A_683, %add3A_684 : i32
          %get3A_686 = arith.index_cast %add3A_685 : i32 to index
          %get3A_687 = memref.load %arg2[%get3A_686] : memref<300xf32, #tpu.memory_space<smem>>
          %mul3A_688 = arith.constant 2.000000e+00 : f32
          %mul3A_689 = arith.mulf %mul3A_688, %get3A_687 : f32
          %mul3A_690 = arith.constant 6 : i32
          %mul3A_691 = arith.muli %scan3A_304, %mul3A_690 : i32
          %add3A_692 = arith.constant 5 : i32
          %add3A_693 = arith.addi %mul3A_691, %add3A_692 : i32
          %get3A_694 = arith.index_cast %add3A_693 : i32 to index
          %get3A_695 = memref.load %arg2[%get3A_694] : memref<300xf32, #tpu.memory_space<smem>>
          %mul3A_696 = arith.mulf %mul3A_689, %get3A_695 : f32
          %mul3A_697 = arith.mulf %mul3A_696, %reduce_sum3A_131 : f32
          %add3A_698 = arith.addf %add3A_681, %mul3A_697 : f32
          %mul3A_699 = arith.constant 6 : i32
          %mul3A_700 = arith.muli %scan3A_304, %mul3A_699 : i32
          %add3A_701 = arith.constant 5 : i32
          %add3A_702 = arith.addi %mul3A_700, %add3A_701 : i32
          %get3A_703 = arith.index_cast %add3A_702 : i32 to index
          %get3A_704 = memref.load %arg2[%get3A_703] : memref<300xf32, #tpu.memory_space<smem>>
          %mul3A_705 = arith.constant 1.000000e+00 : f32
          %mul3A_706 = arith.mulf %mul3A_705, %get3A_704 : f32
          %mul3A_707 = arith.constant 6 : i32
          %mul3A_708 = arith.muli %scan3A_304, %mul3A_707 : i32
          %add3A_709 = arith.constant 5 : i32
          %add3A_710 = arith.addi %mul3A_708, %add3A_709 : i32
          %get3A_711 = arith.index_cast %add3A_710 : i32 to index
          %get3A_712 = memref.load %arg2[%get3A_711] : memref<300xf32, #tpu.memory_space<smem>>
          %mul3A_713 = arith.mulf %mul3A_706, %get3A_712 : f32
          %mul3A_714 = arith.mulf %mul3A_713, %sub3A_253 : f32
          %add3A_715 = arith.addf %add3A_698, %mul3A_714 : f32
          %div3A_716 = arith.constant 0x49800000 : f32
          %div3A_717 = arith.divf %add3A_715, %div3A_716 : f32
          %mul3A_718 = arith.mulf %div3A_357, %div3A_357 : f32
          %sub3A_719 = arith.subf %div3A_717, %mul3A_718 : f32
          %add3A_720 = arith.constant 9.99999974E-6 : f32
          %add3A_721 = arith.addf %sub3A_719, %add3A_720 : f32
          %sqrt3A = math.sqrt %add3A_721 : f32
          %div3A_722 = arith.constant 1.000000e+00 : f32
          %div3A_723 = arith.divf %div3A_722, %sqrt3A : f32
          %eq3A_724 = vector.broadcast %scan3A_304 : i32 to vector<1x6400xi32>
          %eq3A_725 = arith.cmpi eq, %select_n3A, %eq3A_724 : vector<1x6400xi32>
          %mul3A_726 = arith.mulf %div3A_357, %div3A_723 : f32
          %broadcast_in_dim3A_727 = vector.broadcast %mul3A_726 : f32 to vector<1x6400xf32>
          %select_n3A_728 = arith.select %eq3A_725, %broadcast_in_dim3A_727, %scan3A_305 : vector<1x6400xi1>, vector<1x6400xf32>
          %broadcast_in_dim3A_729 = vector.broadcast %div3A_723 : f32 to vector<1x6400xf32>
          %select_n3A_730 = arith.select %eq3A_725, %broadcast_in_dim3A_729, %scan3A_306 : vector<1x6400xi1>, vector<1x6400xf32>
          scf.yield %select_n3A_728, %select_n3A_730 : vector<1x6400xf32>, vector<1x6400xf32>
        }
        %scan3A_286 = arith.constant 50 : i32
        %swap3A_287 = arith.constant 0 : index
        %swap3A_288 = arith.constant 0 : index
        %swap3A_289 = vector.load %arg11[%swap3A_287, %swap3A_288] : memref<1x6400xf32, #tpu.memory_space<vmem>>, vector<1x6400xf32>
        tpu.vector_store %arg11[%swap3A_287, %swap3A_288], %scan3A_285#0 {strides = array<i32>} : memref<1x6400xf32, #tpu.memory_space<vmem>>, vector<1x6400xf32>,
        %get3A_290 = arith.constant 0 : index
        %get3A_291 = arith.constant 0 : index
        %get3A_292 = vector.load %arg5[%get3A_290, %get3A_291] : memref<256x6400xbf16, #tpu.memory_space<vmem>>, vector<256x6400xbf16>
        %convert_element_type3A_293 = arith.truncf %scan3A_285#1 : vector<1x6400xf32> to vector<1x6400xbf16>
        %mul3A_294 = vector.broadcast %convert_element_type3A_293 : vector<1x6400xbf16> to vector<256x6400xbf16>
        %mul3A_295 = arith.mulf %get3A_292, %mul3A_294 : vector<256x6400xbf16>
        %swap3A_296 = arith.constant 0 : index
        %swap3A_297 = arith.constant 0 : index
        %swap3A_298 = vector.load %arg12[%swap3A_296, %swap3A_297] : memref<256x6400xbf16, #tpu.memory_space<vmem>>, vector<256x6400xbf16>
        tpu.vector_store %arg12[%swap3A_296, %swap3A_297], %mul3A_295 {strides = array<i32>} : memref<256x6400xbf16, #tpu.memory_space<vmem>>, vector<256x6400xbf16>,
        %broadcast_in_dim3A_299 = arith.constant 0.000000e+00 : f32
        %broadcast_in_dim3A_300 = vector.broadcast %broadcast_in_dim3A_299 : f32 to vector<8x128xf32>
        %swap3A_301 = arith.constant 0 : index
        %swap3A_302 = arith.constant 0 : index
        %swap3A_303 = vector.load %arg9[%swap3A_301, %swap3A_302] : memref<8x128xf32, #tpu.memory_space<vmem>>, vector<8x128xf32>
        tpu.vector_store %arg9[%swap3A_301, %swap3A_302], %broadcast_in_dim3A_300 {strides = array<i32>} : memref<8x128xf32, #tpu.memory_space<vmem>>, vector<8x128xf32>,
      } else {
      }
      %get3A = arith.constant 0 : index
      %get3A_17 = arith.constant 0 : index
      %get3A_18 = vector.load %arg3[%get3A, %get3A_17] : memref<1024x128xf32, #tpu.memory_space<vmem>>, vector<1024x128xf32>
      %get3A_19 = arith.constant 0 : index
      %get3A_20 = arith.constant 0 : index
      %get3A_21 = vector.load %arg4[%get3A_19, %get3A_20] : memref<1024x128xf32, #tpu.memory_space<vmem>>, vector<1024x128xf32>
      %concatenate3A = tpu.concatenate %get3A_18, %get3A_21 in 1 : vector<1024x128xf32>, vector<1024x128xf32> -> vector<1024x256xf32>
      %convert_element_type3A_22 = arith.truncf %concatenate3A : vector<1024x256xf32> to vector<1024x256xbf16>
      %get3A_23 = arith.constant 0 : index
      %get3A_24 = arith.constant 0 : index
      %get3A_25 = vector.load %arg12[%get3A_23, %get3A_24] : memref<256x6400xbf16, #tpu.memory_space<vmem>>, vector<256x6400xbf16>
      %dot_general3A = arith.constant dense<0.000000e+00> : vector<1024x6400xf32>
      %dot_general3A_26 = tpu.matmul %convert_element_type3A_22, %get3A_25, %dot_general3A {dimension_numbers = #tpu.dot_dimension_numbers<[1], [0], [0], [1], [0, 0, 1, 1], [], []>, transpose_lhs_hint = false} : vector<1024x256xbf16>, vector<256x6400xbf16>, vector<1024x6400xf32> -> vector<1024x6400xf32>
      %get3A_27 = arith.constant 0 : index
      %get3A_28 = arith.constant 0 : index
      %get3A_29 = vector.load %arg11[%get3A_27, %get3A_28] : memref<1x6400xf32, #tpu.memory_space<vmem>>, vector<1x6400xf32>
      %sub3A = vector.broadcast %get3A_29 : vector<1x6400xf32> to vector<1024x6400xf32>
      %sub3A_30 = arith.subf %dot_general3A_26, %sub3A : vector<1024x6400xf32>
      %max3A = arith.constant 0.000000e+00 : f32
      %max3A_31 = vector.broadcast %max3A : f32 to vector<1024x6400xf32>
      %max3A_32 = arith.maximumf %sub3A_30, %max3A_31 : vector<1024x6400xf32>
      %convert_element_type3A_33 = arith.truncf %max3A_32 : vector<1024x6400xf32> to vector<1024x6400xbf16>
      %get3A_34 = arith.constant 0 : index
      %get3A_35 = arith.constant 0 : index
      %get3A_36 = vector.load %arg6[%get3A_34, %get3A_35] : memref<6400x128xbf16, #tpu.memory_space<vmem>>, vector<6400x128xbf16>
      %dot_general3A_37 = arith.constant dense<0.000000e+00> : vector<1024x128xf32>
      %dot_general3A_38 = tpu.matmul %convert_element_type3A_33, %get3A_36, %dot_general3A_37 {dimension_numbers = #tpu.dot_dimension_numbers<[1], [0], [0], [1], [0, 0, 1, 1], [], []>, transpose_lhs_hint = false} : vector<1024x6400xbf16>, vector<6400x128xbf16>, vector<1024x128xf32> -> vector<1024x128xf32>
      %mul3A = arith.constant 1024 : i32
      %mul3A_39 = arith.muli %arg1, %mul3A : i32
      %multiple_of3A = tpu.assume_multiple %mul3A_39, 1024 : i32
      %swap3A = arith.index_cast %multiple_of3A : i32 to index
      %swap3A_40 = arith.constant 0 : index
      %swap3A_41 = vector.load %arg10[%swap3A, %swap3A_40] : memref<8192x128xf32, #tpu.memory_space<vmem>>, vector<1024x128xf32>
      tpu.vector_store %arg10[%swap3A, %swap3A_40], %dot_general3A_38 {strides = array<i32>} : memref<8192x128xf32, #tpu.memory_space<vmem>>, vector<1024x128xf32>,
      %get3A_42 = arith.constant 0 : index
      %get3A_43 = arith.constant 0 : index
      %get3A_44 = vector.load %arg9[%get3A_42, %get3A_43] : memref<8x128xf32, #tpu.memory_space<vmem>>, vector<1x128xf32>
      %reduce_sum3A = arith.constant dense<0.000000e+00> : vector<128xf32>
      %reduce_sum3A_45 = vector.multi_reduction <add>, %dot_general3A_38, %reduce_sum3A [0] : vector<1024x128xf32> to vector<128xf32>
      %broadcast_in_dim3A = vector.shape_cast %reduce_sum3A_45 : vector<128xf32> to vector<1x128xf32>
      %add3A = arith.addf %get3A_44, %broadcast_in_dim3A : vector<1x128xf32>
      %swap3A_46 = arith.constant 0 : index
      %swap3A_47 = arith.constant 0 : index
      %swap3A_48 = vector.load %arg9[%swap3A_46, %swap3A_47] : memref<8x128xf32, #tpu.memory_space<vmem>>, vector<1x128xf32>
      tpu.vector_store %arg9[%swap3A_46, %swap3A_47], %add3A {strides = array<i32>} : memref<8x128xf32, #tpu.memory_space<vmem>>, vector<1x128xf32>,
      %get3A_49 = arith.constant 1 : index
      %get3A_50 = arith.constant 0 : index
      %get3A_51 = vector.load %arg9[%get3A_49, %get3A_50] : memref<8x128xf32, #tpu.memory_space<vmem>>, vector<1x128xf32>
      %mul3A_52 = arith.mulf %dot_general3A_38, %dot_general3A_38 : vector<1024x128xf32>
      %reduce_sum3A_53 = arith.constant dense<0.000000e+00> : vector<128xf32>
      %reduce_sum3A_54 = vector.multi_reduction <add>, %mul3A_52, %reduce_sum3A_53 [0] : vector<1024x128xf32> to vector<128xf32>
      %broadcast_in_dim3A_55 = vector.shape_cast %reduce_sum3A_54 : vector<128xf32> to vector<1x128xf32>
      %add3A_56 = arith.addf %get3A_51, %broadcast_in_dim3A_55 : vector<1x128xf32>
      %swap3A_57 = arith.constant 1 : index
      %swap3A_58 = arith.constant 0 : index
      %swap3A_59 = vector.load %arg9[%swap3A_57, %swap3A_58] : memref<8x128xf32, #tpu.memory_space<vmem>>, vector<1x128xf32>
      tpu.vector_store %arg9[%swap3A_57, %swap3A_58], %add3A_56 {strides = array<i32>} : memref<8x128xf32, #tpu.memory_space<vmem>>, vector<1x128xf32>,
    } else {
    }
    %eq3A_7 = arith.constant 2 : i32
    %eq3A_8 = arith.cmpi eq, %arg0, %eq3A_7 : i32
    %convert_element_type3A_9 = arith.extui %eq3A_8 : i1 to i32
    %cond3A_10 = arith.constant 0 : i32
    %cond3A_11 = arith.cmpi ne, %convert_element_type3A_9, %cond3A_10 : i32
    scf.if %cond3A_11 {
      %get3A = arith.constant 0 : index
      %get3A_12 = arith.constant 0 : index
      %get3A_13 = vector.load %arg9[%get3A, %get3A_12] : memref<8x128xf32, #tpu.memory_space<vmem>>, vector<1x128xf32>
      %mul3A = arith.constant 1.22070313E-4 : f32
      %mul3A_14 = vector.broadcast %mul3A : f32 to vector<1x128xf32>
      %mul3A_15 = arith.mulf %get3A_13, %mul3A_14 : vector<1x128xf32>
      %get3A_16 = arith.constant 1 : index
      %get3A_17 = arith.constant 0 : index
      %get3A_18 = vector.load %arg9[%get3A_16, %get3A_17] : memref<8x128xf32, #tpu.memory_space<vmem>>, vector<1x128xf32>
      %mul3A_19 = arith.constant 1.22070313E-4 : f32
      %mul3A_20 = vector.broadcast %mul3A_19 : f32 to vector<1x128xf32>
      %mul3A_21 = arith.mulf %get3A_18, %mul3A_20 : vector<1x128xf32>
      %mul3A_22 = arith.mulf %mul3A_15, %mul3A_15 : vector<1x128xf32>
      %sub3A = arith.subf %mul3A_21, %mul3A_22 : vector<1x128xf32>
      %add3A = arith.constant 9.99999974E-6 : f32
      %add3A_23 = vector.broadcast %add3A : f32 to vector<1x128xf32>
      %add3A_24 = arith.addf %sub3A, %add3A_23 : vector<1x128xf32>
      %rsqrt3A = math.rsqrt %add3A_24 : vector<1x128xf32>
      %mul3A_25 = arith.constant 1024 : i32
      %mul3A_26 = arith.muli %arg1, %mul3A_25 : i32
      %multiple_of3A = tpu.assume_multiple %mul3A_26, 1024 : i32
      %get3A_27 = arith.index_cast %multiple_of3A : i32 to index
      %get3A_28 = arith.constant 0 : index
      %get3A_29 = vector.load %arg10[%get3A_27, %get3A_28] : memref<8192x128xf32, #tpu.memory_space<vmem>>, vector<1024x128xf32>
      %sub3A_30 = vector.broadcast %mul3A_15 : vector<1x128xf32> to vector<1024x128xf32>
      %sub3A_31 = arith.subf %get3A_29, %sub3A_30 : vector<1024x128xf32>
      %mul3A_32 = vector.broadcast %rsqrt3A : vector<1x128xf32> to vector<1024x128xf32>
      %mul3A_33 = arith.mulf %sub3A_31, %mul3A_32 : vector<1024x128xf32>
      %max3A = arith.constant 0.000000e+00 : f32
      %max3A_34 = vector.broadcast %max3A : f32 to vector<1024x128xf32>
      %max3A_35 = arith.maximumf %mul3A_33, %max3A_34 : vector<1024x128xf32>
      %swap3A = arith.constant 0 : index
      %swap3A_36 = arith.constant 0 : index
      %swap3A_37 = vector.load %arg7[%swap3A, %swap3A_36] : memref<1024x128xf32, #tpu.memory_space<vmem>>, vector<1024x128xf32>
      tpu.vector_store %arg7[%swap3A, %swap3A_36], %max3A_35 {strides = array<i32>} : memref<1024x128xf32, #tpu.memory_space<vmem>>, vector<1024x128xf32>,
    } else {
    }
    return
  }
  func.func @transform_0(%arg0: i32, %arg1: i32) -> i32 {
    %c0_i32 = arith.constant 0 : i32
    %c0_i32_0 = arith.constant 0 : i32
    return %c0_i32 : i32
  }
  func.func @transform_1(%arg0: i32, %arg1: i32) -> (i32, i32) {
    %eq3A = arith.constant 2 : i32
    %eq3A_0 = arith.cmpi eq, %arg0, %eq3A : i32
    %jit3A = arith.constant 0 : i32
    %select_n3A = arith.select %eq3A_0, %jit3A, %arg1 : i32
    %c0_i32 = arith.constant 0 : i32
    %c0_i32_1 = arith.constant 0 : i32
    return %select_n3A, %c0_i32 : i32, i32
  }
  func.func @transform_2(%arg0: i32, %arg1: i32) -> (i32, i32) {
    %eq3A = arith.constant 2 : i32
    %eq3A_0 = arith.cmpi eq, %arg0, %eq3A : i32
    %jit3A = arith.constant 0 : i32
    %select_n3A = arith.select %eq3A_0, %jit3A, %arg1 : i32
    %c0_i32 = arith.constant 0 : i32
    %c0_i32_1 = arith.constant 0 : i32
    return %select_n3A, %c0_i32 : i32, i32
  }
  func.func @transform_3(%arg0: i32, %arg1: i32) -> (i32, i32) {
    %c0_i32 = arith.constant 0 : i32
    %c0_i32_0 = arith.constant 0 : i32
    %c0_i32_1 = arith.constant 0 : i32
    return %c0_i32, %c0_i32_0 : i32, i32
  }
  func.func @transform_4(%arg0: i32, %arg1: i32) -> (i32, i32) {
    %c0_i32 = arith.constant 0 : i32
    %c0_i32_0 = arith.constant 0 : i32
    %c0_i32_1 = arith.constant 0 : i32
    return %c0_i32, %c0_i32_0 : i32, i32
  }
  func.func @transform_5(%arg0: i32, %arg1: i32) -> (i32, i32) {
    %eq3A = arith.constant 2 : i32
    %eq3A_0 = arith.cmpi eq, %arg0, %eq3A : i32
    %jit3A = arith.constant 0 : i32
    %select_n3A = arith.select %eq3A_0, %arg1, %jit3A : i32
    %c0_i32 = arith.constant 0 : i32
    %c0_i32_1 = arith.constant 0 : i32
    return %select_n3A, %c0_i32 : i32, i32
  }
}

</mosaic_0001>

<sc_bundles>
// kernel: kernel.4.cloned.1.call-start
scs
__scs_entry_jumppad:
0x0: {  	(pc) =	sbr.rel $0x88, $3  }
0x1: {  	(tag) =	ssettag $0x0;
	lr =	simm.s32 $0x1  }
0x2: {  	[smem:$0x3F9B] =	sst lr;
	_ =	strace $0xD0000000  }
0x3: {  	_ = 	snop  }
0x4: {  	_ = 	snop  }
0x5: {  	_ = 	snop  }
0x6: {  	_ = 	snop  }
0x7: {  	_ = 	snop  }
__scs_overlays_trampoline_lowered:
0x8: {  	[smem:$0x3FAA] =	sst s0  }
0x9: {  	[smem:$0x3FAB] =	sst s1  }
0xa: {  	[smem:$0x3FAC] =	sst s2  }
0xb: {  	[smem:$0x3FAD] =	sst s3  }
0xc: {  	[smem:$0x3FAE] =	sst s4  }
0xd: {  	[smem:$0x3FAF] =	sst s5  }
0xe: {  	[smem:$0x3FB0] =	sst s6  }
0xf: {  	[smem:$0x3FB1] =	sst s7  }
0x10: {  	[smem:$0x3FB2] =	sst s8  }
0x11: {  	[smem:$0x3FB3] =	sst s9;
	s0 =	simm.s32 @!p0 $0x0  }
0x12: {  	s1 =	sld [smem:$0x3F99];
	s0 =	simm.s32 @p0 $0x1  }
0x13: {  	[smem:$0x3FB4] =	sst s0;
	s0 =	simm.s32 @!p1 $0x0  }
0x14: {  	s2 =	sld [smem:$0x3F98];
	s0 =	simm.s32 @p1 $0x1  }
0x15: {  	[smem:$0x3FB5] =	sst s0;
	s0 =	simm.s32 @!p2 $0x0  }
0x16: {  	s3 =	sld [smem:$0x3FDB];
	s0 =	simm.s32 @p2 $0x1  }
0x17: {  	s4 =	simm.s32 $0x1BF5;
	[smem:$0x3FB7] =	sst s0  }
0x18: {  	s0 =	sld [smem:$0x3F9A];
	_ =	swait.ge [sflag:s4], $0x0  }
0x19: {  	s7 =	sld [smem:$0x3F9B]  }
0x1a: {  	s8 =	sadd.s32 $0xFFFFE003, lr  }
0x1b: {  	s9 =	sadd.s32 $0xFFFFFEF7, lr;
	s5 =	simm.s32 $0xFFFFFFFF;
	p2 =	slt.u32 s8, $0xFFFFF086  }
0x1c: {  	p1 =	slt.u32 s9, $0xF7A;
	s5 =	simm.s32 @!p2 $0x0  }
0x1d: {  	s5 =	simm.s32 @p1 $0x1;
	p0 =	seq.s32 s7, s2  }
0x1e: {  	s7 =	smul.u32 @!p0 $0xF7A, s2;
	p2 =	seq.s32 @!p0 s5, $0x0  }
0x1f: {  	s9 =	smul.u32 $0xF7A, s1;
	s8 =	simm.s32 @!p0 $0x1BF5;
	p2 =	por !p2, p0  }
0x20: {  	[sflag:s8] =	ssyncset.s32 @!p0 $0xFFFFF086;
	s6 =	sadd.s32 @!p0 s3, s7;
	s7 =	simm.s32 @!p0 $0x108  }
0x21: {  	s3 =	sadd.s32 s3, s9;
	s6 =	sadd.s32 @!p0 $0x88, s6;
	s7 =	simm.s32 @p2 $0x1082  }
0x22: {  	[simem:s7], [sflag:s8] =	dma.local @!p0 [hbm:s6], $0xF7A  }
0x23: {  	s9 =	sor.u32 $0xD0000000, s2;
	s6 =	simm.s32 $0x108;
	_ =	swait.ge @!p0 [sflag:s8], $0x0  }
0x24: {  	s3 =	sadd.s32 $0x88, s3;
	s6 =	simm.s32 @!p1 $0x1082;
	[sflag:s4] =	ssyncset.s32 $0xFFFFF086  }
0x25: {  	[simem:s6], [sflag:s4] =	dma.local [hbm:s3], $0xF7A  }
0x26: {  	[smem:$0x3F9B] =	sst s1;
	(tag) =	ssettag s2;
	_ =	strace s9  }
0x27: {  	s1 =	sld [smem:$0x3FAB]  }
0x28: {  	s2 =	sld [smem:$0x3FAC]  }
0x29: {  	s4 =	sld [smem:$0x3FAE]  }
0x2a: {  	p0 =	seq.s32 s5, $0x0;
	s5 =	sld [smem:$0x3FAF]  }
0x2b: {  	s6 =	sld [smem:$0x3FB0]  }
0x2c: {  	s7 =	sld [smem:$0x3FB1]  }
0x2d: {  	s3 =	simm.s32 $0x108;
	s8 =	sld [smem:$0x3FB2]  }
0x2e: {  	s3 =	simm.s32 @!p0 $0x1082;
	s9 =	sld [smem:$0x3FB3]  }
0x2f: {  	lr =	sadd.s32 s0, s3;
	s0 =	sld [smem:$0x3FAA]  }
0x30: {  	s3 =	sld [smem:$0x3FAD]  }
0x31: {  	[smem:$0x3FB6] =	sst s10  }
0x32: {  	s10 =	sld [smem:$0x3FB4];
	_ =	sdelay $0x3  }
0x33: {  	p0 =	seq.s32 s10, $0x1;
	s10 =	sld [smem:$0x3FB6];
	_ =	sdelay $0x3  }
0x34: {  	[smem:$0x3FB6] =	sst s10  }
0x35: {  	s10 =	sld [smem:$0x3FB5];
	_ =	sdelay $0x3  }
0x36: {  	p1 =	seq.s32 s10, $0x1;
	s10 =	sld [smem:$0x3FB6];
	_ =	sdelay $0x3  }
0x37: {  	[smem:$0x3FB6] =	sst s10  }
0x38: {  	s10 =	sld [smem:$0x3FB7]  }
0x39: {  	_ = 	snop;
	(pc) =	sbr.ind lr, $3  }
0x3a: {  	_ = 	snop  }
0x3b: {  	_ = 	snop  }
0x3c: {  	p2 =	seq.s32 s10, $0x1;
	s10 =	sld [smem:$0x3FB6]  }
0x3d: {  	_ =	shalt  }
0x3e: {  	_ =	shalt  }
0x3f: {  	_ =	shalt  }
0x40: {  	_ =	shalt  }
0x41: {  	_ =	shalt  }
0x42: {  	_ =	shalt  }
0x43: {  	_ =	shalt  }
0x44: {  	_ =	shalt  }
0x45: {  	_ =	shalt  }
0x46: {  	_ =	shalt  }
0x47: {  	_ =	shalt  }
0x48: {  	_ =	shalt  }
0x49: {  	_ =	shalt  }
0x4a: {  	_ =	shalt  }
0x4b: {  	_ =	shalt  }
0x4c: {  	_ =	shalt  }
0x4d: {  	_ =	shalt  }
0x4e: {  	_ =	shalt  }
0x4f: {  	_ =	shalt  }
0x50: {  	_ =	shalt  }
0x51: {  	_ =	shalt  }
0x52: {  	_ =	shalt  }
0x53: {  	_ =	shalt  }
0x54: {  	_ =	shalt  }
0x55: {  	_ =	shalt  }
0x56: {  	_ =	shalt  }
0x57: {  	_ =	shalt  }
0x58: {  	_ =	shalt  }
0x59: {  	_ =	shalt  }
0x5a: {  	_ =	shalt  }
0x5b: {  	_ =	shalt  }
0x5c: {  	_ =	shalt  }
0x5d: {  	_ =	shalt  }
0x5e: {  	_ =	shalt  }
0x5f: {  	_ =	shalt  }
0x60: {  	_ =	shalt  }
0x61: {  	_ =	shalt  }
0x62: {  	_ =	shalt  }
0x63: {  	_ =	shalt  }
0x64: {  	_ =	shalt  }
0x65: {  	_ =	shalt  }
0x66: {  	_ =	shalt  }
0x67: {  	_ =	shalt  }
0x68: {  	_ =	shalt  }
0x69: {  	_ =	shalt  }
0x6a: {  	_ =	shalt  }
0x6b: {  	_ =	shalt  }
0x6c: {  	_ =	shalt  }
0x6d: {  	_ =	shalt  }
0x6e: {  	_ =	shalt  }
0x6f: {  	_ =	shalt  }
0x70: {  	_ =	shalt  }
0x71: {  	_ =	shalt  }
0x72: {  	_ =	shalt  }
0x73: {  	_ =	shalt  }
0x74: {  	_ =	shalt  }
0x75: {  	_ =	shalt  }
0x76: {  	_ =	shalt  }
0x77: {  	_ =	shalt  }
0x78: {  	_ =	shalt  }
0x79: {  	_ =	shalt  }
0x7a: {  	_ =	shalt  }
0x7b: {  	_ =	shalt  }
0x7c: {  	_ =	shalt  }
0x7d: {  	_ =	shalt  }
0x7e: {  	_ =	shalt  }
0x7f: {  	_ =	shalt  }
0x80: {  	_ =	shalt  }
0x81: {  	_ =	shalt  }
0x82: {  	_ =	shalt  }
0x83: {  	_ =	shalt  }
0x84: {  	_ =	shalt  }
0x85: {  	_ =	shalt  }
0x86: {  	_ =	shalt  }
0x87: {  	_ =	shalt  }
.Lfunc_end0:
.L_simem_size_0:
called_computation_lowered:
.L_overlay_start_0:
0x88: {  	s2 =	sld [smem:$0x3FD9]  }
0x89: {  	s3 =	sld [smem:$0x3FFE];
	_ =	sdelay $0x1  }
0x8a: {  	s1 =	srdreg.scid  }
0x8b: {  	s0 =	sand.u32 $0x1, s1  }
0x8c: {  	s17 =	sshll.u32 s0, $0xA;
	s2 =	sadd.s32 s3, s2  }
0x8d: {  	s2 =	sadd.s32 s2, s17  }
0x8e: {  	[smem:$0x3FC2] =	sst s2  }
0x8f: {  	_ = 	snop  }
0x90: {  	s2 =	sld [smem:$0x3FC9]  }
0x91: {  	s18 =	sld [smem:$0x3FC8]  }
0x92: {  	s4 =	sld [smem:$0x3FC5]  }
0x93: {  	s5 =	sld [smem:$0x3FC4]  }
0x94: {  	s6 =	sld [smem:$0x3FD0];
	(tm) =	ssettm $0x1  }
0x95: {  	s7 =	sld [smem:$0x3FFB];
	_ =	sdelay $0x3  }
0x96: {  	_ =	strace s7  }
0x97: {  	s7 =	sld [smem:$0x3FFC];
	_ =	sdelay $0x3  }
0x98: {  	_ =	strace s7  }
0x99: {  	s7 =	sld [smem:$0x3FFD];
	_ =	sdelay $0x3  }
0x9a: {  	_ =	strace s7  }
0x9b: {  	_ =	strace $0x8FFFFFFF  }
0x9c: {  	s19 =	sld [smem:$0x3FDB];
	_ =	sdelay $0x1  }
0x9d: {  	s8 =	simm.s32 $_scs_section_size  }
0x9e: {  	s9 =	simm.s32 $_size__tile_overlayer_lowered;
	s10 =	simm.s32 $_tile_overlayer_lowered  }
0x9f: {  	s22 =	simm.s32 $0x1BFF;
	s21 =	sshll.u32 s10, $0x1;
	s7 =	sadd.s32 s8, s19  }
0xa0: {  	s11 =	simm.s32 $0x0;
	s20 =	sshll.u32 s9, $0x1;
	s9 =	sadd.s32 s21, s7  }
0xa1: {  	[timem:s11], [sflag:s22] =	dma.local [hbm:s9], s20  }
0xa2: {  	_ =	swait.ge [sflag:s22], s20  }
0xa3: {  	s8 =	ssub.s32 $0x0, s20;
	[sflag:s22] =	ssyncset.done $0x0  }
0xa4: {  	[sflag:s22] =	ssyncadd.s32 s8;
	_ =	sdelay $0x1  }
0xa5: {  	s23 =	simm.s32 $0x1B8B  }
0xa6: {  	_ =	swait.ge [sflag:s23], $0x1  }
0xa7: {  	[sflag:s23] =	ssyncset.done $0x0  }
0xa8: {  	s25 =	simm.s32 $0x1B8E;
	s24 =	sld [smem:$0x3FFE];
	[sflag:s23] =	ssyncadd.s32 $0xFFFFFFFF  }
0xa9: {  	s26 =	simm.s32 $execute0_lowered;
	[smem:$0x3FD2] =	sst s25  }
0xaa: {  	s9 =	sshll.u32 s26, $0x1;
	_ =	strace $0x80000046;
	[dreg:$0x1] =	wrdreg $0xFFFFFFFF  }
0xab: {  	s28 =	simm.s32 $_size_execute0_lowered;
	s7 =	sadd.s32 s7, s9;
	[dreg:$0x0] =	wrdreg $0x0  }
0xac: {  	s9 =	sshll.u32 s28, $0x1;
	[dreg:$0x2] =	wrdreg s7  }
0xad: {  	[dreg:$0x3] =	wrdreg s9  }
0xae: {  	[dreg:$0x4] =	wrdreg $0xC0  }
0xaf: {  	_ =	task [dreg:s11], $0x5FFFF  }
0xb0: {  	[dreg:$0x1] =	wrdreg $0xFFFFFFFF  }
0xb1: {  	[dreg:$0x0] =	wrdreg $0x60  }
0xb2: {  	[dreg:$0x2] =	wrdreg s2  }
0xb3: {  	[dreg:$0x3] =	wrdreg s18  }
0xb4: {  	[dreg:$0x4] =	wrdreg s4  }
0xb5: {  	[dreg:$0x5] =	wrdreg s5  }
0xb6: {  	[dreg:$0x6] =	wrdreg s6  }
0xb7: {  	[dreg:$0x7] =	wrdreg s24  }
0xb8: {  	[dreg:$0x8] =	wrdreg $0x9  }
0xb9: {  	_ =	task.clear_ibuf [dreg:s11], $0x9FFFF;
	_ =	strace $0x90000046  }
0xba: {  	s29 =	simm.s32 $0x9;
	_ =	strace $0x80000048  }
0xbb: {  	_ =	swait.ge [sflag:s29], $0x1  }
0xbc: {  	[sflag:s29] =	ssyncadd.s32 $0xFFFFFFFF  }
0xbd: {  	_ =	strace $0x90000048  }
0xbe: {  	_ =	sfence  }
0xbf: {  	s30 =	sld [smem:$0x0];
	_ =	sdelay $0x2  }
0xc0: {  	s31 =	sshll.u32 s1, $0xD;
	s1 =	sshrl.u32 s1, $0x2  }
0xc1: {  	s3 =	sand.u32 $0x4000, s31;
	s1 =	sadd.s32 s1, s30  }
0xc2: {  	s0 =	sor.u32 s3, s0;
	s1 =	sshll.u32 s1, $0x11  }
0xc3: {  	s0 =	sor.u32 s1, s0  }
0xc4: {  	s0 =	sadd.s32 $0x8F2B, s0  }
0xc5: {  	[sflag:s0] =	ssyncadd.remote.s32 $0x1  }
0xc6: {  	_ =	sfence.sel $0xFFFF  }
0xc7: {  	[dreg:$0x0] =	wrdreg $0xFFFFFFFF;
	(pc) =	sbr.abs _section_cstart, $3  }
0xc8: {  	[dreg:$0x1] =	wrdreg $0xFFFFFFFF  }
0xc9: {  	_ =	task.clear_ibuf [dreg:s11], $0x2FFFF;
	_ =	strace $0x9FFFFFFF  }
0xca: {  	(tm) =	ssettm $0x7FFFFFFF  }
0xcb: {  	_ =	shalt  }
tec
execute0_lowered:
.L_overlay_start_1:
0x0: {  	(tag) =	ssettag $0x1  }
0x1: {  	s0 =	rddreg [dreg:$0x0]  }
0x2: {  	s2 =	rddreg [dreg:$0x1]  }
0x3: {  	s5 =	rddreg [dreg:$0x2]  }
0x4: {  	s7 =	rddreg [dreg:$0x3]  }
0x5: {  	s16 =	rddreg [dreg:$0x4]  }
0x6: {  	s3 =	srdreg.scid;
	s1 =	stileid.u32  }
0x7: {  	s18 =	rddreg [dreg:$0x5];
	s19 =	sand.u32 $0x1, s3;
	s6 =	sshll.u32 s1, $0x1  }
0x8: {  	s4 =	simm.s32 $0x0;
	s3 =	rddreg [dreg:$0x6];
	s17 =	sor.u32 s19, s6  }
0x9: {  	[smem:$0x7FF] =	sst s4;
	s8 =	sshll.u32 s17, $0x5  }
0xa: {  	_ =	strace $0x80000047;
	s6 =	sadd.s32 s5, s8;
	s5 =	simm.s32 $0x3  }
0xb: {  	[tilespmem:s4], [sflag:$0x3] =	stream.linear.gather [hbm4b:s6+s4], $0x100, $0x38;
	[tilespmem:$0x10200] =	vst v63  }
0xc: {  	_ =	swait.ge [sflag:s5], $0x100  }
0xd: {  	[sflag:s5] =	ssyncset.done $0x0  }
0xe: {  	s7 =	sadd.s32 s7, s8;
	s8 =	simm.s32 $0x100;
	[sflag:s5] =	ssyncadd.s32 $0xFFFFFF00  }
0xf: {  	[tilespmem:s8], [sflag:$0x3] =	stream.linear.gather [hbm4b:s7+s4], $0x100, $0x38;
	[tilespmem:$0x10200] =	vst v63  }
0x10: {  	_ =	swait.ge [sflag:s5], $0x100  }
0x11: {  	[sflag:s5] =	ssyncset.done $0x0  }
0x12: {  	s9 =	simm.s32 $0x80;
	s10 =	simm.s32 $0x200;
	[sflag:s5] =	ssyncadd.s32 $0xFFFFFF00  }
0x13: {  	[tilespmem:s10], [sflag:$0x1] =	stream.indirect.gather [hbm4b:s0+s9], $0x80, s4, s9, $0xb8;
	[tilespmem:$0x10200] =	vst v63  }
0x14: {  	s11 =	simm.s32 $0x8200  }
0x15: {  	[tilespmem:s11], [sflag:$0x2] =	stream.indirect.gather [hbm4b:s2+s9], $0x80, s8, s9, $0xb8;
	[tilespmem:$0x10200] =	vst v63  }
0x16: {  	s12 =	simm.s32 $0x4200  }
0x17: {  	[tilespmem:s12], [sflag:$0x1] =	stream.indirect.gather [hbm4b:s0+s9], $0x80, s9, s9, $0xb8;
	[tilespmem:$0x10200] =	vst v63  }
0x18: {  	s13 =	simm.s32 $0x180;
	s14 =	simm.s32 $0xC200;
	s15 =	simm.s32 $0x1  }
0x19: {  	[tilespmem:s14], [sflag:$0x2] =	stream.indirect.gather [hbm4b:s2+s9], $0x80, s13, s9, $0xb8;
	[tilespmem:$0x10200] =	vst v63  }
0x1a: {  	_ =	swait.ge [sflag:s15], $0x4000  }
0x1b: {  	[sflag:s15] =	ssyncset.done $0x0  }
0x1c: {  	[sflag:s15] =	ssyncadd.s32 $0xFFFFC000  }
0x1d: {  	_ =	swait.ge [sflag:s15], $0x4000  }
0x1e: {  	s20 =	sshll.u32 s17, $0xC;
	[sflag:s15] =	ssyncset.done $0x0  }
0x1f: {  	s16 =	sadd.s32 s16, s20;
	[sflag:s15] =	ssyncadd.s32 $0xFFFFC000  }
0x20: {  	[hbm4b:s16+s4] =	stream.linear.scatter [tilespmem:s10], [sflag:$0x3], $0x8000, $0x38;
	[tilespmem:$0x10200] =	vst v63  }
0x21: {  	_ =	swait.ge [sflag:s5], $0x8000  }
0x22: {  	[sflag:s5] =	ssyncset.done $0x0  }
0x23: {  	s19 =	ssub.s32 $0x2, s19;
	s17 =	simm.s32 $0x2;
	[sflag:s5] =	ssyncadd.s32 $0xFFFF8000  }
0x24: {  	s21 =	sshrl.u32 s19, $0x1;
	_ =	swait.ge [sflag:s17], $0x4000  }
0x25: {  	s19 =	ssub.s32 s19, s21;
	[sflag:s17] =	ssyncset.done $0x0  }
0x26: {  	s19 =	smax.u32 s19, $0x1;
	[sflag:s17] =	ssyncadd.s32 $0xFFFFC000  }
0x27: {  	p0 =	sne.s32 s19, $0x1;
	_ =	swait.ge [sflag:s17], $0x4000  }
.Ltmp0:
0x28: {  	s18 =	sadd.s32 s20, s18;
	[sflag:s17] =	ssyncset.done $0x0;
	(pc) =	sbr.rel @!p0 .LBB2_2-.Ltmp0, $4  }
0x29: {  	s18 =	sadd.s32 $0x1200, s18;
	[sflag:s17] =	ssyncadd.s32 $0xFFFFC000  }
0x2a: {  	[hbm4b:s18+s4] =	stream.linear.scatter [tilespmem:s11], [sflag:$0x3], $0x8000, $0x38;
	[tilespmem:$0x10200] =	vst v63  }
0x2b: {  	_ =	swait.ge [sflag:s5], $0x8000  }
0x2c: {  	s19 =	sadd.s32 $0xFFFFFFFF, s19;
	[sflag:s5] =	ssyncset.done $0x0  }
.LBB2_1:
0x2d: {  	p0 =	sne.s32 s19, $0x1;
	s19 =	sadd.s32 $0xFFFFFFFF, s19;
	[sflag:s5] =	ssyncadd.s32 $0xFFFF8000  }
0x2e: {  	[tilespmem:s4], [sflag:$0x3] =	stream.linear.gather [hbm4b:s6+s4], $0x100, $0x38;
	[tilespmem:$0x10200] =	vst v63  }
0x2f: {  	_ =	swait.ge [sflag:s5], $0x100  }
0x30: {  	[sflag:s5] =	ssyncset.done $0x0  }
0x31: {  	[sflag:s5] =	ssyncadd.s32 $0xFFFFFF00  }
0x32: {  	[tilespmem:s8], [sflag:$0x3] =	stream.linear.gather [hbm4b:s7+s4], $0x100, $0x38;
	[tilespmem:$0x10200] =	vst v63  }
0x33: {  	_ =	swait.ge [sflag:s5], $0x100  }
0x34: {  	[sflag:s5] =	ssyncset.done $0x0  }
0x35: {  	[sflag:s5] =	ssyncadd.s32 $0xFFFFFF00  }
0x36: {  	[tilespmem:s10], [sflag:$0x1] =	stream.indirect.gather [hbm4b:s0+s9], $0x80, s4, s9, $0xb8;
	[tilespmem:$0x10200] =	vst v63  }
0x37: {  	_ = 	snop  }
0x38: {  	[tilespmem:s11], [sflag:$0x2] =	stream.indirect.gather [hbm4b:s2+s9], $0x80, s8, s9, $0xb8;
	[tilespmem:$0x10200] =	vst v63  }
0x39: {  	_ = 	snop  }
0x3a: {  	[tilespmem:s12], [sflag:$0x1] =	stream.indirect.gather [hbm4b:s0+s9], $0x80, s9, s9, $0xb8;
	[tilespmem:$0x10200] =	vst v63  }
0x3b: {  	_ = 	snop  }
0x3c: {  	[tilespmem:s14], [sflag:$0x2] =	stream.indirect.gather [hbm4b:s2+s9], $0x80, s13, s9, $0xb8;
	[tilespmem:$0x10200] =	vst v63  }
0x3d: {  	_ =	swait.ge [sflag:s15], $0x4000  }
0x3e: {  	[sflag:s15] =	ssyncset.done $0x0  }
0x3f: {  	[sflag:s15] =	ssyncadd.s32 $0xFFFFC000  }
0x40: {  	_ =	swait.ge [sflag:s15], $0x4000  }
0x41: {  	[sflag:s15] =	ssyncset.done $0x0  }
0x42: {  	[sflag:s15] =	ssyncadd.s32 $0xFFFFC000  }
0x43: {  	[hbm4b:s16+s4] =	stream.linear.scatter [tilespmem:s10], [sflag:$0x3], $0x8000, $0x38;
	[tilespmem:$0x10200] =	vst v63  }
0x44: {  	_ =	swait.ge [sflag:s5], $0x8000  }
0x45: {  	[sflag:s5] =	ssyncset.done $0x0  }
0x46: {  	[sflag:s5] =	ssyncadd.s32 $0xFFFF8000  }
0x47: {  	_ =	swait.ge [sflag:s17], $0x4000  }
0x48: {  	[sflag:s17] =	ssyncset.done $0x0  }
0x49: {  	[sflag:s17] =	ssyncadd.s32 $0xFFFFC000  }
0x4a: {  	_ =	swait.ge [sflag:s17], $0x4000  }
.Ltmp1:
0x4b: {  	[sflag:s17] =	ssyncset.done $0x0;
	(pc) =	sbr.rel @p0 .LBB2_1-.Ltmp1, $4  }
0x4c: {  	[sflag:s17] =	ssyncadd.s32 $0xFFFFC000  }
0x4d: {  	[hbm4b:s18+s4] =	stream.linear.scatter [tilespmem:s11], [sflag:$0x3], $0x8000, $0x38;
	[tilespmem:$0x10200] =	vst v63  }
0x4e: {  	_ =	swait.ge [sflag:s5], $0x8000  }
0x4f: {  	[sflag:s5] =	ssyncset.done $0x0  }
.LBB2_2:
0x50: {  	[sflag:s5] =	ssyncadd.s32 $0xFFFF8000  }
0x51: {  	_ =	sfence.sel $0x180000  }
0x52: {  	[bflag:$0x0] =	sbarrier.arrive $0xFFFF  }
0x53: {  	p0 =	sne.s32 s1, $0x0;
	_ =	strace $0x90000047  }
0x54: {  	s0 =	sadd.s32 @!p0 $0x100000, s3;
	[bflag:$0x2] =	sbarrier.arrive $0xFFFF  }
0x55: {  	[sflag:s0] =	ssyncadd.tile.s32 @!p0 $0x1;
	_ =	shalt  }
.Lfunc_end2:
_tile_overlayer_lowered:
.L_overlay_start_2:
0x56: {  	(tag) =	ssettag $0x2  }
0x57: {  	s0 =	rddreg [dreg:$0x0];
	s2 =	stileid.u32  }
0x58: {  	s1 =	rddreg [dreg:$0x1];
	p0 =	sne.s32 s2, $0x0  }
0x59: {  	s3 =	rddreg [dreg:$0x2];
	[bflag:$0x3] =	sbarrier.arrive $0xFFFF;
	s2 =	simm.s32 @!p0 $0x1C03  }
0x5a: {  	[timem:s3], [sflag:s2] =	dma.local @!p0 [hbm:s0], s1  }
0x5b: {  	s0 =	simm.s32 @!p0 $0x3  }
0x5c: {  	_ =	swait.ge @!p0 [sflag:s0], s1  }
0x5d: {  	s1 =	ssub.s32 @!p0 $0x0, s1;
	[sflag:s0] =	ssyncset.done @!p0 $0x0  }
0x5e: {  	[sflag:s0] =	ssyncadd.s32 @!p0 s1  }
0x5f: {  	[bflag:$0x3] =	sbarrier.arrive $0xFFFF  }
0x60: {  	_ =	shalt  }

</sc_bundles>
